<compile_context>
chip_gen: v7x
topology: tpu7x:2x2x1
jax: 0.10.2.dev20260603
libtpu: 0.0.44.dev20260713+nightly
codegen_flags: <defaults>
</compile_context>

<pallas_src>
import functools

import jax
import jax.numpy as jnp
from jax import lax
from jax.experimental import pallas as pl
from jax.experimental.pallas import tpu as pltpu
from jax.experimental.pallas import tpu_sc as plsc

B, T, F = 4, 8192, 768
K = T // 2
NC, NS, L = 2, 16, 16
NW = NC * NS
ROWS_PER_W = (B * K) // NW
CH = 32
NCHUNK = ROWS_PER_W // CH
NBUF = 4
W_PER_B = K // ROWS_PER_W

_mesh = plsc.VectorSubcoreMesh(core_axis_name="c", subcore_axis_name="s")


@functools.partial(
    pl.kernel,
    mesh=_mesh,
    out_type=jax.ShapeDtypeStruct((B * K, F), jnp.float32),
    scratch_types=(
        [pltpu.VMEM((NCHUNK, CH), jnp.int32)]
        + [pltpu.VMEM((CH, F), jnp.float32) for _ in range(NBUF)]
        + [pltpu.SemaphoreType.DMA for _ in range(2 * NBUF)]
    ),
)
def _gather_kernel(table_hbm, idx_hbm, out_hbm, idx_v, *bufs_and_sems):
    bufs = bufs_and_sems[:NBUF]
    gsems = bufs_and_sems[NBUF:2 * NBUF]
    ssems = bufs_and_sems[2 * NBUF:]

    wid = lax.axis_index("s") * NC + lax.axis_index("c")
    base = wid * ROWS_PER_W

    pltpu.sync_copy(idx_hbm.at[wid], idx_v)

    off = (wid // W_PER_B) * T

    def add_off(c):
        for j in range(CH // L):
            sl = pl.ds(j * L, L)
            idx_v[c, sl] = idx_v[c, sl] + off

    def gather(c):
        return pltpu.async_copy(
            table_hbm.at[idx_v.at[c]], bufs[c % NBUF],
            gsems[c % NBUF])

    def store(c):
        return pltpu.async_copy(
            bufs[c % NBUF], out_hbm.at[pl.ds(base + c * CH, CH)],
            ssems[c % NBUF])

    g = [None] * NBUF
    s = [None] * NBUF

    def wait_store(b):
        if s[b] is not None:
            s[b].wait()
            s[b] = None

    for c in range(min(NBUF - 1, NCHUNK)):
        add_off(c)
        g[c % NBUF] = gather(c)
    for c in range(NCHUNK):
        b = c % NBUF
        ahead = c + NBUF - 1
        if ahead < NCHUNK:
            ab = ahead % NBUF
            wait_store(ab)
            add_off(ahead)
            g[ab] = gather(ahead)
        g[b].wait()
        s[b] = store(c)
    for b in range(NBUF):
        wait_store(b)


def kernel(tensor, sampled_indices):
    table = tensor.reshape(B * T, F)
    idx = sampled_indices.astype(jnp.int32).reshape(NW, NCHUNK, CH)
    out = _gather_kernel(table, idx)
    return out.reshape(B, K, F)

# --- scband reference (transcript-rebuilt; emitter-appended) ---
"""Pipeline reference for scband-sample-tokens-9174050144544 (READ-ONLY COPY).

The authoritative reference and input builder live on the scoring server;
editing this copy changes nothing except your own understanding.
"""

import jax, jax.numpy as jnp
import numpy as np

B, T, F = 4, 8192, 768
P = 0.5
K = int(T * P)

def setup_inputs(seed: int = 0) -> dict:
    key = jax.random.key(seed)
    k1, k2 = jax.random.split(key)
    tensor = jax.random.normal(k1, (B, T, F), dtype=jnp.float32)
    # torch.multinomial with uniform weights, no replacement == random permutation, take first K.
    # Indices are sampling randomness (non-learned, int constants), materialized here.
    keys = jax.random.split(k2, B)
    sampled_indices = jax.vmap(lambda k: jax.random.permutation(k, T)[:K])(keys)
    return {"tensor": tensor, "sampled_indices": sampled_indices}

def reference(tensor, sampled_indices):
    # torch.gather(tensor, 1, idx.unsqueeze(-1).expand(-1, -1, F)) == per-batch row gather along token dim
    out = jax.vmap(lambda t, i: jnp.take(t, i, axis=0))(tensor, sampled_indices)
    return out

if __name__ == "__main__":
    import jax
    _d = setup_inputs()
    print(jax.jit(kernel)(*tuple(_d.values())))

</pallas_src>

<mosaic_0001>
#map = affine_map<(d0, d1) -> (0, 0)>
#map1 = affine_map<(d0, d1) -> (0, 0, 0)>
module attributes {stable_mosaic.version = 14 : i64} {
  func.func @_gather_kernel(%arg0: i32, %arg1: i32, %arg2: memref<32768x768xf32, #tpu.memory_space<hbm>>, %arg3: memref<32x16x32xi32, #tpu.memory_space<hbm>>, %arg4: memref<16384x768xf32, #tpu.memory_space<hbm>>, %arg5: memref<16x32xi32, #tpu.memory_space<vmem>>, %arg6: memref<32x768xf32, #tpu.memory_space<vmem>>, %arg7: memref<32x768xf32, #tpu.memory_space<vmem>>, %arg8: memref<32x768xf32, #tpu.memory_space<vmem>>, %arg9: memref<32x768xf32, #tpu.memory_space<vmem>>, %arg10: memref<!tpu.dma_semaphore, #tpu.memory_space<semaphore_mem>>, %arg11: memref<!tpu.dma_semaphore, #tpu.memory_space<semaphore_mem>>, %arg12: memref<!tpu.dma_semaphore, #tpu.memory_space<semaphore_mem>>, %arg13: memref<!tpu.dma_semaphore, #tpu.memory_space<semaphore_mem>>, %arg14: memref<!tpu.dma_semaphore, #tpu.memory_space<semaphore_mem>>, %arg15: memref<!tpu.dma_semaphore, #tpu.memory_space<semaphore_mem>>, %arg16: memref<!tpu.dma_semaphore, #tpu.memory_space<semaphore_mem>>, %arg17: memref<!tpu.dma_semaphore, #tpu.memory_space<semaphore_mem>>) attributes {dimension_semantics = [#tpu.dimension_semantics<core_parallel>, #tpu.dimension_semantics<subcore_parallel>], iteration_bounds = array<i64: 2, 16>, scalar_prefetch = 0 : i64, scratch_operands = 13 : i64, tpu.core_type = #tpu.core_type<sc_vector_subcore>, window_params = [{transform_indices = #map}, {transform_indices = #map1}, {transform_indices = #map}]} {
    %mul3A = arith.constant 2 : i32
    %mul3A_0 = arith.muli %arg1, %mul3A : i32
    %add3A = arith.addi %mul3A_0, %arg0 : i32
    %mul3A_1 = arith.constant 512 : i32
    %mul3A_2 = arith.muli %add3A, %mul3A_1 : i32
    "tpu.region"() ({
      %run_scoped3A = tpu.sem_alloc : memref<!tpu.dma_semaphore, #tpu.memory_space<semaphore_mem>>
      %dma_start3A_817 = arith.constant 0 : i32
      %dma_start3A_818 = arith.constant 0 : i32
      %dma_start3A_819 = tpu.memref_slice %arg3[%add3A, %dma_start3A_817, %dma_start3A_818] : memref<32x16x32xi32, #tpu.memory_space<hbm>> -> memref<1x16x32xi32, #tpu.memory_space<hbm>>
      %dma_start3A_820 = tpu.memref_squeeze %dma_start3A_819 : memref<1x16x32xi32, #tpu.memory_space<hbm>> -> memref<16x32xi32, #tpu.memory_space<hbm>>
      %dma_start3A_821 = arith.constant 0 : i32
      %dma_start3A_822 = arith.constant 0 : i32
      %dma_start3A_823 = tpu.memref_slice %arg3[%add3A, %dma_start3A_821, %dma_start3A_822] : memref<32x16x32xi32, #tpu.memory_space<hbm>> -> memref<1x16x32xi32, #tpu.memory_space<hbm>>
      %dma_start3A_824 = tpu.memref_squeeze %dma_start3A_823 : memref<1x16x32xi32, #tpu.memory_space<hbm>> -> memref<16x32xi32, #tpu.memory_space<hbm>>
      tpu.enqueue_dma source(%dma_start3A_824 : memref<16x32xi32, #tpu.memory_space<hbm>>) target(%arg5 : memref<16x32xi32, #tpu.memory_space<vmem>>) target_semaphore(%run_scoped3A : memref<!tpu.dma_semaphore, #tpu.memory_space<semaphore_mem>>)
      %dma_wait3A_825 = arith.constant 0 : i32
      %dma_wait3A_826 = arith.constant 0 : i32
      %dma_wait3A_827 = tpu.memref_slice %arg3[%add3A, %dma_wait3A_825, %dma_wait3A_826] : memref<32x16x32xi32, #tpu.memory_space<hbm>> -> memref<1x16x32xi32, #tpu.memory_space<hbm>>
      %dma_wait3A_828 = tpu.memref_squeeze %dma_wait3A_827 : memref<1x16x32xi32, #tpu.memory_space<hbm>> -> memref<16x32xi32, #tpu.memory_space<hbm>>
      %dma_wait3A_829 = arith.constant 0 : i32
      %dma_wait3A_830 = arith.constant 0 : i32
      %dma_wait3A_831 = tpu.memref_slice %arg3[%add3A, %dma_wait3A_829, %dma_wait3A_830] : memref<32x16x32xi32, #tpu.memory_space<hbm>> -> memref<1x16x32xi32, #tpu.memory_space<hbm>>
      %dma_wait3A_832 = tpu.memref_squeeze %dma_wait3A_831 : memref<1x16x32xi32, #tpu.memory_space<hbm>> -> memref<16x32xi32, #tpu.memory_space<hbm>>
      tpu.wait_dma2 semaphore(%run_scoped3A : memref<!tpu.dma_semaphore, #tpu.memory_space<semaphore_mem>>) src(%dma_wait3A_832 : memref<16x32xi32, #tpu.memory_space<hbm>>) dst(%arg5 : memref<16x32xi32, #tpu.memory_space<vmem>>)
      tpu.yield
    }) : () -> ()
    %jit3A = arith.constant 8 : i32
    %div3A = arith.divsi %add3A, %jit3A : i32
    %sign3A = arith.constant 0 : i32
    %sign3A_3 = arith.cmpi sgt, %add3A, %sign3A : i32
    %sign3A_4 = arith.extui %sign3A_3 : i1 to i32
    %sign3A_5 = arith.constant 0 : i32
    %sign3A_6 = arith.cmpi slt, %add3A, %sign3A_5 : i32
    %sign3A_7 = arith.extui %sign3A_6 : i1 to i32
    %sign3A_8 = arith.subi %sign3A_4, %sign3A_7 : i32
    %sign3A_9 = arith.constant 0 : i32
    %sign3A_10 = arith.cmpi sgt, %jit3A, %sign3A_9 : i32
    %sign3A_11 = arith.extui %sign3A_10 : i1 to i32
    %sign3A_12 = arith.constant 0 : i32
    %sign3A_13 = arith.cmpi slt, %jit3A, %sign3A_12 : i32
    %sign3A_14 = arith.extui %sign3A_13 : i1 to i32
    %sign3A_15 = arith.subi %sign3A_11, %sign3A_14 : i32
    %ne3A = arith.cmpi ne, %sign3A_8, %sign3A_15 : i32
    %rem3A = arith.remsi %add3A, %jit3A : i32
    %ne3A_16 = arith.constant 0 : i32
    %ne3A_17 = arith.cmpi ne, %rem3A, %ne3A_16 : i32
    %and3A = arith.andi %ne3A, %ne3A_17 : i1
    %sub3A = arith.constant 1 : i32
    %sub3A_18 = arith.subi %div3A, %sub3A : i32
    %select_n3A = arith.select %and3A, %sub3A_18, %div3A : i32
    %mul3A_19 = arith.constant 8192 : i32
    %mul3A_20 = arith.muli %select_n3A, %mul3A_19 : i32
    %get3A = arith.constant 0 : i32
    %get3A_21 = arith.index_cast %get3A : i32 to index
    %get3A_22 = arith.constant 0 : index
    %get3A_23 = tpu.vector_load %arg5[%get3A_21, %get3A_22] {strides = array<i32>} : memref<16x32xi32, #tpu.memory_space<vmem>>, vector<1x16xi32>,
    %get3A_24 = vector.shape_cast %get3A_23 : vector<1x16xi32> to vector<16xi32>
    %add3A_25 = vector.broadcast %mul3A_20 : i32 to vector<16xi32>
    %add3A_26 = arith.addi %get3A_24, %add3A_25 : vector<16xi32>
    %swap3A = arith.constant 0 : i32
    %swap3A_27 = arith.index_cast %swap3A : i32 to index
    %swap3A_28 = arith.constant 0 : index
    %swap3A_29 = tpu.vector_load %arg5[%swap3A_27, %swap3A_28] {strides = array<i32>} : memref<16x32xi32, #tpu.memory_space<vmem>>, vector<1x16xi32>,
    %swap3A_30 = vector.shape_cast %swap3A_29 : vector<1x16xi32> to vector<16xi32>
    %swap3A_31 = vector.shape_cast %add3A_26 : vector<16xi32> to vector<1x16xi32>
    tpu.vector_store %arg5[%swap3A_27, %swap3A_28], %swap3A_31 {strides = array<i32>} : memref<16x32xi32, #tpu.memory_space<vmem>>, vector<1x16xi32>,
    %get3A_32 = arith.constant 0 : i32
    %get3A_33 = arith.index_cast %get3A_32 : i32 to index
    %get3A_34 = arith.constant 16 : index
    %get3A_35 = tpu.vector_load %arg5[%get3A_33, %get3A_34] {strides = array<i32>} : memref<16x32xi32, #tpu.memory_space<vmem>>, vector<1x16xi32>,
    %get3A_36 = vector.shape_cast %get3A_35 : vector<1x16xi32> to vector<16xi32>
    %add3A_37 = vector.broadcast %mul3A_20 : i32 to vector<16xi32>
    %add3A_38 = arith.addi %get3A_36, %add3A_37 : vector<16xi32>
    %swap3A_39 = arith.constant 0 : i32
    %swap3A_40 = arith.index_cast %swap3A_39 : i32 to index
    %swap3A_41 = arith.constant 16 : index
    %swap3A_42 = tpu.vector_load %arg5[%swap3A_40, %swap3A_41] {strides = array<i32>} : memref<16x32xi32, #tpu.memory_space<vmem>>, vector<1x16xi32>,
    %swap3A_43 = vector.shape_cast %swap3A_42 : vector<1x16xi32> to vector<16xi32>
    %swap3A_44 = vector.shape_cast %add3A_38 : vector<16xi32> to vector<1x16xi32>
    tpu.vector_store %arg5[%swap3A_40, %swap3A_41], %swap3A_44 {strides = array<i32>} : memref<16x32xi32, #tpu.memory_space<vmem>>, vector<1x16xi32>,
    %dma_start3A = arith.constant 0 : i32
    %dma_start3A_45 = arith.constant 0 : i32
    %dma_start3A_46 = tpu.memref_slice %arg5[%dma_start3A, %dma_start3A_45] : memref<16x32xi32, #tpu.memory_space<vmem>> -> memref<1x32xi32, #tpu.memory_space<vmem>>
    %dma_start3A_47 = tpu.memref_squeeze %dma_start3A_46 : memref<1x32xi32, #tpu.memory_space<vmem>> -> memref<32xi32, #tpu.memory_space<vmem>>
    %dma_start3A_48 = arith.constant 0 : i32
    %dma_start3A_49 = arith.constant 0 : i32
    %dma_start3A_50 = tpu.memref_slice %arg2[%dma_start3A_48, %dma_start3A_49] : memref<32768x768xf32, #tpu.memory_space<hbm>> -> memref<32768x768xf32, #tpu.memory_space<hbm>>
    tpu.enqueue_indirect_dma source(%dma_start3A_50 : memref<32768x768xf32, #tpu.memory_space<hbm>>) target(%arg6 : memref<32x768xf32, #tpu.memory_space<vmem>>) offsets(%dma_start3A_47 : memref<32xi32, #tpu.memory_space<vmem>>) semaphore(%arg10 : memref<!tpu.dma_semaphore, #tpu.memory_space<semaphore_mem>>)
    %get3A_51 = arith.constant 1 : i32
    %get3A_52 = arith.index_cast %get3A_51 : i32 to index
    %get3A_53 = arith.constant 0 : index
    %get3A_54 = tpu.vector_load %arg5[%get3A_52, %get3A_53] {strides = array<i32>} : memref<16x32xi32, #tpu.memory_space<vmem>>, vector<1x16xi32>,
    %get3A_55 = vector.shape_cast %get3A_54 : vector<1x16xi32> to vector<16xi32>
    %add3A_56 = vector.broadcast %mul3A_20 : i32 to vector<16xi32>
    %add3A_57 = arith.addi %get3A_55, %add3A_56 : vector<16xi32>
    %swap3A_58 = arith.constant 1 : i32
    %swap3A_59 = arith.index_cast %swap3A_58 : i32 to index
    %swap3A_60 = arith.constant 0 : index
    %swap3A_61 = tpu.vector_load %arg5[%swap3A_59, %swap3A_60] {strides = array<i32>} : memref<16x32xi32, #tpu.memory_space<vmem>>, vector<1x16xi32>,
    %swap3A_62 = vector.shape_cast %swap3A_61 : vector<1x16xi32> to vector<16xi32>
    %swap3A_63 = vector.shape_cast %add3A_57 : vector<16xi32> to vector<1x16xi32>
    tpu.vector_store %arg5[%swap3A_59, %swap3A_60], %swap3A_63 {strides = array<i32>} : memref<16x32xi32, #tpu.memory_space<vmem>>, vector<1x16xi32>,
    %get3A_64 = arith.constant 1 : i32
    %get3A_65 = arith.index_cast %get3A_64 : i32 to index
    %get3A_66 = arith.constant 16 : index
    %get3A_67 = tpu.vector_load %arg5[%get3A_65, %get3A_66] {strides = array<i32>} : memref<16x32xi32, #tpu.memory_space<vmem>>, vector<1x16xi32>,
    %get3A_68 = vector.shape_cast %get3A_67 : vector<1x16xi32> to vector<16xi32>
    %add3A_69 = vector.broadcast %mul3A_20 : i32 to vector<16xi32>
    %add3A_70 = arith.addi %get3A_68, %add3A_69 : vector<16xi32>
    %swap3A_71 = arith.constant 1 : i32
    %swap3A_72 = arith.index_cast %swap3A_71 : i32 to index
    %swap3A_73 = arith.constant 16 : index
    %swap3A_74 = tpu.vector_load %arg5[%swap3A_72, %swap3A_73] {strides = array<i32>} : memref<16x32xi32, #tpu.memory_space<vmem>>, vector<1x16xi32>,
    %swap3A_75 = vector.shape_cast %swap3A_74 : vector<1x16xi32> to vector<16xi32>
    %swap3A_76 = vector.shape_cast %add3A_70 : vector<16xi32> to vector<1x16xi32>
    tpu.vector_store %arg5[%swap3A_72, %swap3A_73], %swap3A_76 {strides = array<i32>} : memref<16x32xi32, #tpu.memory_space<vmem>>, vector<1x16xi32>,
    %dma_start3A_77 = arith.constant 1 : i32
    %dma_start3A_78 = arith.constant 0 : i32
    %dma_start3A_79 = tpu.memref_slice %arg5[%dma_start3A_77, %dma_start3A_78] : memref<16x32xi32, #tpu.memory_space<vmem>> -> memref<1x32xi32, #tpu.memory_space<vmem>>
    %dma_start3A_80 = tpu.memref_squeeze %dma_start3A_79 : memref<1x32xi32, #tpu.memory_space<vmem>> -> memref<32xi32, #tpu.memory_space<vmem>>
    %dma_start3A_81 = arith.constant 0 : i32
    %dma_start3A_82 = arith.constant 0 : i32
    %dma_start3A_83 = tpu.memref_slice %arg2[%dma_start3A_81, %dma_start3A_82] : memref<32768x768xf32, #tpu.memory_space<hbm>> -> memref<32768x768xf32, #tpu.memory_space<hbm>>
    tpu.enqueue_indirect_dma source(%dma_start3A_83 : memref<32768x768xf32, #tpu.memory_space<hbm>>) target(%arg7 : memref<32x768xf32, #tpu.memory_space<vmem>>) offsets(%dma_start3A_80 : memref<32xi32, #tpu.memory_space<vmem>>) semaphore(%arg11 : memref<!tpu.dma_semaphore, #tpu.memory_space<semaphore_mem>>)
    %get3A_84 = arith.constant 2 : i32
    %get3A_85 = arith.index_cast %get3A_84 : i32 to index
    %get3A_86 = arith.constant 0 : index
    %get3A_87 = tpu.vector_load %arg5[%get3A_85, %get3A_86] {strides = array<i32>} : memref<16x32xi32, #tpu.memory_space<vmem>>, vector<1x16xi32>,
    %get3A_88 = vector.shape_cast %get3A_87 : vector<1x16xi32> to vector<16xi32>
    %add3A_89 = vector.broadcast %mul3A_20 : i32 to vector<16xi32>
    %add3A_90 = arith.addi %get3A_88, %add3A_89 : vector<16xi32>
    %swap3A_91 = arith.constant 2 : i32
    %swap3A_92 = arith.index_cast %swap3A_91 : i32 to index
    %swap3A_93 = arith.constant 0 : index
    %swap3A_94 = tpu.vector_load %arg5[%swap3A_92, %swap3A_93] {strides = array<i32>} : memref<16x32xi32, #tpu.memory_space<vmem>>, vector<1x16xi32>,
    %swap3A_95 = vector.shape_cast %swap3A_94 : vector<1x16xi32> to vector<16xi32>
    %swap3A_96 = vector.shape_cast %add3A_90 : vector<16xi32> to vector<1x16xi32>
    tpu.vector_store %arg5[%swap3A_92, %swap3A_93], %swap3A_96 {strides = array<i32>} : memref<16x32xi32, #tpu.memory_space<vmem>>, vector<1x16xi32>,
    %get3A_97 = arith.constant 2 : i32
    %get3A_98 = arith.index_cast %get3A_97 : i32 to index
    %get3A_99 = arith.constant 16 : index
    %get3A_100 = tpu.vector_load %arg5[%get3A_98, %get3A_99] {strides = array<i32>} : memref<16x32xi32, #tpu.memory_space<vmem>>, vector<1x16xi32>,
    %get3A_101 = vector.shape_cast %get3A_100 : vector<1x16xi32> to vector<16xi32>
    %add3A_102 = vector.broadcast %mul3A_20 : i32 to vector<16xi32>
    %add3A_103 = arith.addi %get3A_101, %add3A_102 : vector<16xi32>
    %swap3A_104 = arith.constant 2 : i32
    %swap3A_105 = arith.index_cast %swap3A_104 : i32 to index
    %swap3A_106 = arith.constant 16 : index
    %swap3A_107 = tpu.vector_load %arg5[%swap3A_105, %swap3A_106] {strides = array<i32>} : memref<16x32xi32, #tpu.memory_space<vmem>>, vector<1x16xi32>,
    %swap3A_108 = vector.shape_cast %swap3A_107 : vector<1x16xi32> to vector<16xi32>
    %swap3A_109 = vector.shape_cast %add3A_103 : vector<16xi32> to vector<1x16xi32>
    tpu.vector_store %arg5[%swap3A_105, %swap3A_106], %swap3A_109 {strides = array<i32>} : memref<16x32xi32, #tpu.memory_space<vmem>>, vector<1x16xi32>,
    %dma_start3A_110 = arith.constant 2 : i32
    %dma_start3A_111 = arith.constant 0 : i32
    %dma_start3A_112 = tpu.memref_slice %arg5[%dma_start3A_110, %dma_start3A_111] : memref<16x32xi32, #tpu.memory_space<vmem>> -> memref<1x32xi32, #tpu.memory_space<vmem>>
    %dma_start3A_113 = tpu.memref_squeeze %dma_start3A_112 : memref<1x32xi32, #tpu.memory_space<vmem>> -> memref<32xi32, #tpu.memory_space<vmem>>
    %dma_start3A_114 = arith.constant 0 : i32
    %dma_start3A_115 = arith.constant 0 : i32
    %dma_start3A_116 = tpu.memref_slice %arg2[%dma_start3A_114, %dma_start3A_115] : memref<32768x768xf32, #tpu.memory_space<hbm>> -> memref<32768x768xf32, #tpu.memory_space<hbm>>
    tpu.enqueue_indirect_dma source(%dma_start3A_116 : memref<32768x768xf32, #tpu.memory_space<hbm>>) target(%arg8 : memref<32x768xf32, #tpu.memory_space<vmem>>) offsets(%dma_start3A_113 : memref<32xi32, #tpu.memory_space<vmem>>) semaphore(%arg12 : memref<!tpu.dma_semaphore, #tpu.memory_space<semaphore_mem>>)
    %get3A_117 = arith.constant 3 : i32
    %get3A_118 = arith.index_cast %get3A_117 : i32 to index
    %get3A_119 = arith.constant 0 : index
    %get3A_120 = tpu.vector_load %arg5[%get3A_118, %get3A_119] {strides = array<i32>} : memref<16x32xi32, #tpu.memory_space<vmem>>, vector<1x16xi32>,
    %get3A_121 = vector.shape_cast %get3A_120 : vector<1x16xi32> to vector<16xi32>
    %add3A_122 = vector.broadcast %mul3A_20 : i32 to vector<16xi32>
    %add3A_123 = arith.addi %get3A_121, %add3A_122 : vector<16xi32>
    %swap3A_124 = arith.constant 3 : i32
    %swap3A_125 = arith.index_cast %swap3A_124 : i32 to index
    %swap3A_126 = arith.constant 0 : index
    %swap3A_127 = tpu.vector_load %arg5[%swap3A_125, %swap3A_126] {strides = array<i32>} : memref<16x32xi32, #tpu.memory_space<vmem>>, vector<1x16xi32>,
    %swap3A_128 = vector.shape_cast %swap3A_127 : vector<1x16xi32> to vector<16xi32>
    %swap3A_129 = vector.shape_cast %add3A_123 : vector<16xi32> to vector<1x16xi32>
    tpu.vector_store %arg5[%swap3A_125, %swap3A_126], %swap3A_129 {strides = array<i32>} : memref<16x32xi32, #tpu.memory_space<vmem>>, vector<1x16xi32>,
    %get3A_130 = arith.constant 3 : i32
    %get3A_131 = arith.index_cast %get3A_130 : i32 to index
    %get3A_132 = arith.constant 16 : index
    %get3A_133 = tpu.vector_load %arg5[%get3A_131, %get3A_132] {strides = array<i32>} : memref<16x32xi32, #tpu.memory_space<vmem>>, vector<1x16xi32>,
    %get3A_134 = vector.shape_cast %get3A_133 : vector<1x16xi32> to vector<16xi32>
    %add3A_135 = vector.broadcast %mul3A_20 : i32 to vector<16xi32>
    %add3A_136 = arith.addi %get3A_134, %add3A_135 : vector<16xi32>
    %swap3A_137 = arith.constant 3 : i32
    %swap3A_138 = arith.index_cast %swap3A_137 : i32 to index
    %swap3A_139 = arith.constant 16 : index
    %swap3A_140 = tpu.vector_load %arg5[%swap3A_138, %swap3A_139] {strides = array<i32>} : memref<16x32xi32, #tpu.memory_space<vmem>>, vector<1x16xi32>,
    %swap3A_141 = vector.shape_cast %swap3A_140 : vector<1x16xi32> to vector<16xi32>
    %swap3A_142 = vector.shape_cast %add3A_136 : vector<16xi32> to vector<1x16xi32>
    tpu.vector_store %arg5[%swap3A_138, %swap3A_139], %swap3A_142 {strides = array<i32>} : memref<16x32xi32, #tpu.memory_space<vmem>>, vector<1x16xi32>,
    %dma_start3A_143 = arith.constant 3 : i32
    %dma_start3A_144 = arith.constant 0 : i32
    %dma_start3A_145 = tpu.memref_slice %arg5[%dma_start3A_143, %dma_start3A_144] : memref<16x32xi32, #tpu.memory_space<vmem>> -> memref<1x32xi32, #tpu.memory_space<vmem>>
    %dma_start3A_146 = tpu.memref_squeeze %dma_start3A_145 : memref<1x32xi32, #tpu.memory_space<vmem>> -> memref<32xi32, #tpu.memory_space<vmem>>
    %dma_start3A_147 = arith.constant 0 : i32
    %dma_start3A_148 = arith.constant 0 : i32
    %dma_start3A_149 = tpu.memref_slice %arg2[%dma_start3A_147, %dma_start3A_148] : memref<32768x768xf32, #tpu.memory_space<hbm>> -> memref<32768x768xf32, #tpu.memory_space<hbm>>
    tpu.enqueue_indirect_dma source(%dma_start3A_149 : memref<32768x768xf32, #tpu.memory_space<hbm>>) target(%arg9 : memref<32x768xf32, #tpu.memory_space<vmem>>) offsets(%dma_start3A_146 : memref<32xi32, #tpu.memory_space<vmem>>) semaphore(%arg13 : memref<!tpu.dma_semaphore, #tpu.memory_space<semaphore_mem>>)
    %dma_wait3A = arith.constant 0 : i32
    %dma_wait3A_150 = arith.constant 0 : i32
    %dma_wait3A_151 = tpu.memref_slice %arg5[%dma_wait3A, %dma_wait3A_150] : memref<16x32xi32, #tpu.memory_space<vmem>> -> memref<1x32xi32, #tpu.memory_space<vmem>>
    %dma_wait3A_152 = tpu.memref_squeeze %dma_wait3A_151 : memref<1x32xi32, #tpu.memory_space<vmem>> -> memref<32xi32, #tpu.memory_space<vmem>>
    %dma_wait3A_153 = arith.constant 0 : i32
    %dma_wait3A_154 = arith.constant 0 : i32
    %dma_wait3A_155 = tpu.memref_slice %arg2[%dma_wait3A_153, %dma_wait3A_154] : memref<32768x768xf32, #tpu.memory_space<hbm>> -> memref<32768x768xf32, #tpu.memory_space<hbm>>
    tpu.wait_indirect_dma semaphore(%arg10 : memref<!tpu.dma_semaphore, #tpu.memory_space<semaphore_mem>>) src(%dma_wait3A_155 : memref<32768x768xf32, #tpu.memory_space<hbm>>) dst(%arg6 : memref<32x768xf32, #tpu.memory_space<vmem>>)
    %add3A_156 = arith.constant 0 : i32
    %add3A_157 = arith.addi %mul3A_2, %add3A_156 : i32
    %dma_start3A_158 = arith.constant 0 : i32
    %dma_start3A_159 = tpu.memref_slice %arg4[%add3A_157, %dma_start3A_158] : memref<16384x768xf32, #tpu.memory_space<hbm>> -> memref<32x768xf32, #tpu.memory_space<hbm>>
    %dma_start3A_160 = arith.constant 0 : i32
    %dma_start3A_161 = tpu.memref_slice %arg4[%add3A_157, %dma_start3A_160] : memref<16384x768xf32, #tpu.memory_space<hbm>> -> memref<32x768xf32, #tpu.memory_space<hbm>>
    tpu.enqueue_dma source(%arg6 : memref<32x768xf32, #tpu.memory_space<vmem>>) target(%dma_start3A_161 : memref<32x768xf32, #tpu.memory_space<hbm>>) target_semaphore(%arg14 : memref<!tpu.dma_semaphore, #tpu.memory_space<semaphore_mem>>)
    %dma_wait3A_162 = arith.constant 0 : i32
    %dma_wait3A_163 = tpu.memref_slice %arg4[%add3A_157, %dma_wait3A_162] : memref<16384x768xf32, #tpu.memory_space<hbm>> -> memref<32x768xf32, #tpu.memory_space<hbm>>
    %dma_wait3A_164 = arith.constant 0 : i32
    %dma_wait3A_165 = tpu.memref_slice %arg4[%add3A_157, %dma_wait3A_164] : memref<16384x768xf32, #tpu.memory_space<hbm>> -> memref<32x768xf32, #tpu.memory_space<hbm>>
    tpu.wait_dma2 semaphore(%arg14 : memref<!tpu.dma_semaphore, #tpu.memory_space<semaphore_mem>>) src(%arg6 : memref<32x768xf32, #tpu.memory_space<vmem>>) dst(%dma_wait3A_165 : memref<32x768xf32, #tpu.memory_space<hbm>>)
    %get3A_166 = arith.constant 4 : i32
    %get3A_167 = arith.index_cast %get3A_166 : i32 to index
    %get3A_168 = arith.constant 0 : index
    %get3A_169 = tpu.vector_load %arg5[%get3A_167, %get3A_168] {strides = array<i32>} : memref<16x32xi32, #tpu.memory_space<vmem>>, vector<1x16xi32>,
    %get3A_170 = vector.shape_cast %get3A_169 : vector<1x16xi32> to vector<16xi32>
    %add3A_171 = vector.broadcast %mul3A_20 : i32 to vector<16xi32>
    %add3A_172 = arith.addi %get3A_170, %add3A_171 : vector<16xi32>
    %swap3A_173 = arith.constant 4 : i32
    %swap3A_174 = arith.index_cast %swap3A_173 : i32 to index
    %swap3A_175 = arith.constant 0 : index
    %swap3A_176 = tpu.vector_load %arg5[%swap3A_174, %swap3A_175] {strides = array<i32>} : memref<16x32xi32, #tpu.memory_space<vmem>>, vector<1x16xi32>,
    %swap3A_177 = vector.shape_cast %swap3A_176 : vector<1x16xi32> to vector<16xi32>
    %swap3A_178 = vector.shape_cast %add3A_172 : vector<16xi32> to vector<1x16xi32>
    tpu.vector_store %arg5[%swap3A_174, %swap3A_175], %swap3A_178 {strides = array<i32>} : memref<16x32xi32, #tpu.memory_space<vmem>>, vector<1x16xi32>,
    %get3A_179 = arith.constant 4 : i32
    %get3A_180 = arith.index_cast %get3A_179 : i32 to index
    %get3A_181 = arith.constant 16 : index
    %get3A_182 = tpu.vector_load %arg5[%get3A_180, %get3A_181] {strides = array<i32>} : memref<16x32xi32, #tpu.memory_space<vmem>>, vector<1x16xi32>,
    %get3A_183 = vector.shape_cast %get3A_182 : vector<1x16xi32> to vector<16xi32>
    %add3A_184 = vector.broadcast %mul3A_20 : i32 to vector<16xi32>
    %add3A_185 = arith.addi %get3A_183, %add3A_184 : vector<16xi32>
    %swap3A_186 = arith.constant 4 : i32
    %swap3A_187 = arith.index_cast %swap3A_186 : i32 to index
    %swap3A_188 = arith.constant 16 : index
    %swap3A_189 = tpu.vector_load %arg5[%swap3A_187, %swap3A_188] {strides = array<i32>} : memref<16x32xi32, #tpu.memory_space<vmem>>, vector<1x16xi32>,
    %swap3A_190 = vector.shape_cast %swap3A_189 : vector<1x16xi32> to vector<16xi32>
    %swap3A_191 = vector.shape_cast %add3A_185 : vector<16xi32> to vector<1x16xi32>
    tpu.vector_store %arg5[%swap3A_187, %swap3A_188], %swap3A_191 {strides = array<i32>} : memref<16x32xi32, #tpu.memory_space<vmem>>, vector<1x16xi32>,
    %dma_start3A_192 = arith.constant 4 : i32
    %dma_start3A_193 = arith.constant 0 : i32
    %dma_start3A_194 = tpu.memref_slice %arg5[%dma_start3A_192, %dma_start3A_193] : memref<16x32xi32, #tpu.memory_space<vmem>> -> memref<1x32xi32, #tpu.memory_space<vmem>>
    %dma_start3A_195 = tpu.memref_squeeze %dma_start3A_194 : memref<1x32xi32, #tpu.memory_space<vmem>> -> memref<32xi32, #tpu.memory_space<vmem>>
    %dma_start3A_196 = arith.constant 0 : i32
    %dma_start3A_197 = arith.constant 0 : i32
    %dma_start3A_198 = tpu.memref_slice %arg2[%dma_start3A_196, %dma_start3A_197] : memref<32768x768xf32, #tpu.memory_space<hbm>> -> memref<32768x768xf32, #tpu.memory_space<hbm>>
    tpu.enqueue_indirect_dma source(%dma_start3A_198 : memref<32768x768xf32, #tpu.memory_space<hbm>>) target(%arg6 : memref<32x768xf32, #tpu.memory_space<vmem>>) offsets(%dma_start3A_195 : memref<32xi32, #tpu.memory_space<vmem>>) semaphore(%arg10 : memref<!tpu.dma_semaphore, #tpu.memory_space<semaphore_mem>>)
    %dma_wait3A_199 = arith.constant 1 : i32
    %dma_wait3A_200 = arith.constant 0 : i32
    %dma_wait3A_201 = tpu.memref_slice %arg5[%dma_wait3A_199, %dma_wait3A_200] : memref<16x32xi32, #tpu.memory_space<vmem>> -> memref<1x32xi32, #tpu.memory_space<vmem>>
    %dma_wait3A_202 = tpu.memref_squeeze %dma_wait3A_201 : memref<1x32xi32, #tpu.memory_space<vmem>> -> memref<32xi32, #tpu.memory_space<vmem>>
    %dma_wait3A_203 = arith.constant 0 : i32
    %dma_wait3A_204 = arith.constant 0 : i32
    %dma_wait3A_205 = tpu.memref_slice %arg2[%dma_wait3A_203, %dma_wait3A_204] : memref<32768x768xf32, #tpu.memory_space<hbm>> -> memref<32768x768xf32, #tpu.memory_space<hbm>>
    tpu.wait_indirect_dma semaphore(%arg11 : memref<!tpu.dma_semaphore, #tpu.memory_space<semaphore_mem>>) src(%dma_wait3A_205 : memref<32768x768xf32, #tpu.memory_space<hbm>>) dst(%arg7 : memref<32x768xf32, #tpu.memory_space<vmem>>)
    %add3A_206 = arith.constant 32 : i32
    %add3A_207 = arith.addi %mul3A_2, %add3A_206 : i32
    %dma_start3A_208 = arith.constant 0 : i32
    %dma_start3A_209 = tpu.memref_slice %arg4[%add3A_207, %dma_start3A_208] : memref<16384x768xf32, #tpu.memory_space<hbm>> -> memref<32x768xf32, #tpu.memory_space<hbm>>
    %dma_start3A_210 = arith.constant 0 : i32
    %dma_start3A_211 = tpu.memref_slice %arg4[%add3A_207, %dma_start3A_210] : memref<16384x768xf32, #tpu.memory_space<hbm>> -> memref<32x768xf32, #tpu.memory_space<hbm>>
    tpu.enqueue_dma source(%arg7 : memref<32x768xf32, #tpu.memory_space<vmem>>) target(%dma_start3A_211 : memref<32x768xf32, #tpu.memory_space<hbm>>) target_semaphore(%arg15 : memref<!tpu.dma_semaphore, #tpu.memory_space<semaphore_mem>>)
    %dma_wait3A_212 = arith.constant 0 : i32
    %dma_wait3A_213 = tpu.memref_slice %arg4[%add3A_207, %dma_wait3A_212] : memref<16384x768xf32, #tpu.memory_space<hbm>> -> memref<32x768xf32, #tpu.memory_space<hbm>>
    %dma_wait3A_214 = arith.constant 0 : i32
    %dma_wait3A_215 = tpu.memref_slice %arg4[%add3A_207, %dma_wait3A_214] : memref<16384x768xf32, #tpu.memory_space<hbm>> -> memref<32x768xf32, #tpu.memory_space<hbm>>
    tpu.wait_dma2 semaphore(%arg15 : memref<!tpu.dma_semaphore, #tpu.memory_space<semaphore_mem>>) src(%arg7 : memref<32x768xf32, #tpu.memory_space<vmem>>) dst(%dma_wait3A_215 : memref<32x768xf32, #tpu.memory_space<hbm>>)
    %get3A_216 = arith.constant 5 : i32
    %get3A_217 = arith.index_cast %get3A_216 : i32 to index
    %get3A_218 = arith.constant 0 : index
    %get3A_219 = tpu.vector_load %arg5[%get3A_217, %get3A_218] {strides = array<i32>} : memref<16x32xi32, #tpu.memory_space<vmem>>, vector<1x16xi32>,
    %get3A_220 = vector.shape_cast %get3A_219 : vector<1x16xi32> to vector<16xi32>
    %add3A_221 = vector.broadcast %mul3A_20 : i32 to vector<16xi32>
    %add3A_222 = arith.addi %get3A_220, %add3A_221 : vector<16xi32>
    %swap3A_223 = arith.constant 5 : i32
    %swap3A_224 = arith.index_cast %swap3A_223 : i32 to index
    %swap3A_225 = arith.constant 0 : index
    %swap3A_226 = tpu.vector_load %arg5[%swap3A_224, %swap3A_225] {strides = array<i32>} : memref<16x32xi32, #tpu.memory_space<vmem>>, vector<1x16xi32>,
    %swap3A_227 = vector.shape_cast %swap3A_226 : vector<1x16xi32> to vector<16xi32>
    %swap3A_228 = vector.shape_cast %add3A_222 : vector<16xi32> to vector<1x16xi32>
    tpu.vector_store %arg5[%swap3A_224, %swap3A_225], %swap3A_228 {strides = array<i32>} : memref<16x32xi32, #tpu.memory_space<vmem>>, vector<1x16xi32>,
    %get3A_229 = arith.constant 5 : i32
    %get3A_230 = arith.index_cast %get3A_229 : i32 to index
    %get3A_231 = arith.constant 16 : index
    %get3A_232 = tpu.vector_load %arg5[%get3A_230, %get3A_231] {strides = array<i32>} : memref<16x32xi32, #tpu.memory_space<vmem>>, vector<1x16xi32>,
    %get3A_233 = vector.shape_cast %get3A_232 : vector<1x16xi32> to vector<16xi32>
    %add3A_234 = vector.broadcast %mul3A_20 : i32 to vector<16xi32>
    %add3A_235 = arith.addi %get3A_233, %add3A_234 : vector<16xi32>
    %swap3A_236 = arith.constant 5 : i32
    %swap3A_237 = arith.index_cast %swap3A_236 : i32 to index
    %swap3A_238 = arith.constant 16 : index
    %swap3A_239 = tpu.vector_load %arg5[%swap3A_237, %swap3A_238] {strides = array<i32>} : memref<16x32xi32, #tpu.memory_space<vmem>>, vector<1x16xi32>,
    %swap3A_240 = vector.shape_cast %swap3A_239 : vector<1x16xi32> to vector<16xi32>
    %swap3A_241 = vector.shape_cast %add3A_235 : vector<16xi32> to vector<1x16xi32>
    tpu.vector_store %arg5[%swap3A_237, %swap3A_238], %swap3A_241 {strides = array<i32>} : memref<16x32xi32, #tpu.memory_space<vmem>>, vector<1x16xi32>,
    %dma_start3A_242 = arith.constant 5 : i32
    %dma_start3A_243 = arith.constant 0 : i32
    %dma_start3A_244 = tpu.memref_slice %arg5[%dma_start3A_242, %dma_start3A_243] : memref<16x32xi32, #tpu.memory_space<vmem>> -> memref<1x32xi32, #tpu.memory_space<vmem>>
    %dma_start3A_245 = tpu.memref_squeeze %dma_start3A_244 : memref<1x32xi32, #tpu.memory_space<vmem>> -> memref<32xi32, #tpu.memory_space<vmem>>
    %dma_start3A_246 = arith.constant 0 : i32
    %dma_start3A_247 = arith.constant 0 : i32
    %dma_start3A_248 = tpu.memref_slice %arg2[%dma_start3A_246, %dma_start3A_247] : memref<32768x768xf32, #tpu.memory_space<hbm>> -> memref<32768x768xf32, #tpu.memory_space<hbm>>
    tpu.enqueue_indirect_dma source(%dma_start3A_248 : memref<32768x768xf32, #tpu.memory_space<hbm>>) target(%arg7 : memref<32x768xf32, #tpu.memory_space<vmem>>) offsets(%dma_start3A_245 : memref<32xi32, #tpu.memory_space<vmem>>) semaphore(%arg11 : memref<!tpu.dma_semaphore, #tpu.memory_space<semaphore_mem>>)
    %dma_wait3A_249 = arith.constant 2 : i32
    %dma_wait3A_250 = arith.constant 0 : i32
    %dma_wait3A_251 = tpu.memref_slice %arg5[%dma_wait3A_249, %dma_wait3A_250] : memref<16x32xi32, #tpu.memory_space<vmem>> -> memref<1x32xi32, #tpu.memory_space<vmem>>
    %dma_wait3A_252 = tpu.memref_squeeze %dma_wait3A_251 : memref<1x32xi32, #tpu.memory_space<vmem>> -> memref<32xi32, #tpu.memory_space<vmem>>
    %dma_wait3A_253 = arith.constant 0 : i32
    %dma_wait3A_254 = arith.constant 0 : i32
    %dma_wait3A_255 = tpu.memref_slice %arg2[%dma_wait3A_253, %dma_wait3A_254] : memref<32768x768xf32, #tpu.memory_space<hbm>> -> memref<32768x768xf32, #tpu.memory_space<hbm>>
    tpu.wait_indirect_dma semaphore(%arg12 : memref<!tpu.dma_semaphore, #tpu.memory_space<semaphore_mem>>) src(%dma_wait3A_255 : memref<32768x768xf32, #tpu.memory_space<hbm>>) dst(%arg8 : memref<32x768xf32, #tpu.memory_space<vmem>>)
    %add3A_256 = arith.constant 64 : i32
    %add3A_257 = arith.addi %mul3A_2, %add3A_256 : i32
    %dma_start3A_258 = arith.constant 0 : i32
    %dma_start3A_259 = tpu.memref_slice %arg4[%add3A_257, %dma_start3A_258] : memref<16384x768xf32, #tpu.memory_space<hbm>> -> memref<32x768xf32, #tpu.memory_space<hbm>>
    %dma_start3A_260 = arith.constant 0 : i32
    %dma_start3A_261 = tpu.memref_slice %arg4[%add3A_257, %dma_start3A_260] : memref<16384x768xf32, #tpu.memory_space<hbm>> -> memref<32x768xf32, #tpu.memory_space<hbm>>
    tpu.enqueue_dma source(%arg8 : memref<32x768xf32, #tpu.memory_space<vmem>>) target(%dma_start3A_261 : memref<32x768xf32, #tpu.memory_space<hbm>>) target_semaphore(%arg16 : memref<!tpu.dma_semaphore, #tpu.memory_space<semaphore_mem>>)
    %dma_wait3A_262 = arith.constant 0 : i32
    %dma_wait3A_263 = tpu.memref_slice %arg4[%add3A_257, %dma_wait3A_262] : memref<16384x768xf32, #tpu.memory_space<hbm>> -> memref<32x768xf32, #tpu.memory_space<hbm>>
    %dma_wait3A_264 = arith.constant 0 : i32
    %dma_wait3A_265 = tpu.memref_slice %arg4[%add3A_257, %dma_wait3A_264] : memref<16384x768xf32, #tpu.memory_space<hbm>> -> memref<32x768xf32, #tpu.memory_space<hbm>>
    tpu.wait_dma2 semaphore(%arg16 : memref<!tpu.dma_semaphore, #tpu.memory_space<semaphore_mem>>) src(%arg8 : memref<32x768xf32, #tpu.memory_space<vmem>>) dst(%dma_wait3A_265 : memref<32x768xf32, #tpu.memory_space<hbm>>)
    %get3A_266 = arith.constant 6 : i32
    %get3A_267 = arith.index_cast %get3A_266 : i32 to index
    %get3A_268 = arith.constant 0 : index
    %get3A_269 = tpu.vector_load %arg5[%get3A_267, %get3A_268] {strides = array<i32>} : memref<16x32xi32, #tpu.memory_space<vmem>>, vector<1x16xi32>,
    %get3A_270 = vector.shape_cast %get3A_269 : vector<1x16xi32> to vector<16xi32>
    %add3A_271 = vector.broadcast %mul3A_20 : i32 to vector<16xi32>
    %add3A_272 = arith.addi %get3A_270, %add3A_271 : vector<16xi32>
    %swap3A_273 = arith.constant 6 : i32
    %swap3A_274 = arith.index_cast %swap3A_273 : i32 to index
    %swap3A_275 = arith.constant 0 : index
    %swap3A_276 = tpu.vector_load %arg5[%swap3A_274, %swap3A_275] {strides = array<i32>} : memref<16x32xi32, #tpu.memory_space<vmem>>, vector<1x16xi32>,
    %swap3A_277 = vector.shape_cast %swap3A_276 : vector<1x16xi32> to vector<16xi32>
    %swap3A_278 = vector.shape_cast %add3A_272 : vector<16xi32> to vector<1x16xi32>
    tpu.vector_store %arg5[%swap3A_274, %swap3A_275], %swap3A_278 {strides = array<i32>} : memref<16x32xi32, #tpu.memory_space<vmem>>, vector<1x16xi32>,
    %get3A_279 = arith.constant 6 : i32
    %get3A_280 = arith.index_cast %get3A_279 : i32 to index
    %get3A_281 = arith.constant 16 : index
    %get3A_282 = tpu.vector_load %arg5[%get3A_280, %get3A_281] {strides = array<i32>} : memref<16x32xi32, #tpu.memory_space<vmem>>, vector<1x16xi32>,
    %get3A_283 = vector.shape_cast %get3A_282 : vector<1x16xi32> to vector<16xi32>
    %add3A_284 = vector.broadcast %mul3A_20 : i32 to vector<16xi32>
    %add3A_285 = arith.addi %get3A_283, %add3A_284 : vector<16xi32>
    %swap3A_286 = arith.constant 6 : i32
    %swap3A_287 = arith.index_cast %swap3A_286 : i32 to index
    %swap3A_288 = arith.constant 16 : index
    %swap3A_289 = tpu.vector_load %arg5[%swap3A_287, %swap3A_288] {strides = array<i32>} : memref<16x32xi32, #tpu.memory_space<vmem>>, vector<1x16xi32>,
    %swap3A_290 = vector.shape_cast %swap3A_289 : vector<1x16xi32> to vector<16xi32>
    %swap3A_291 = vector.shape_cast %add3A_285 : vector<16xi32> to vector<1x16xi32>
    tpu.vector_store %arg5[%swap3A_287, %swap3A_288], %swap3A_291 {strides = array<i32>} : memref<16x32xi32, #tpu.memory_space<vmem>>, vector<1x16xi32>,
    %dma_start3A_292 = arith.constant 6 : i32
    %dma_start3A_293 = arith.constant 0 : i32
    %dma_start3A_294 = tpu.memref_slice %arg5[%dma_start3A_292, %dma_start3A_293] : memref<16x32xi32, #tpu.memory_space<vmem>> -> memref<1x32xi32, #tpu.memory_space<vmem>>
    %dma_start3A_295 = tpu.memref_squeeze %dma_start3A_294 : memref<1x32xi32, #tpu.memory_space<vmem>> -> memref<32xi32, #tpu.memory_space<vmem>>
    %dma_start3A_296 = arith.constant 0 : i32
    %dma_start3A_297 = arith.constant 0 : i32
    %dma_start3A_298 = tpu.memref_slice %arg2[%dma_start3A_296, %dma_start3A_297] : memref<32768x768xf32, #tpu.memory_space<hbm>> -> memref<32768x768xf32, #tpu.memory_space<hbm>>
    tpu.enqueue_indirect_dma source(%dma_start3A_298 : memref<32768x768xf32, #tpu.memory_space<hbm>>) target(%arg8 : memref<32x768xf32, #tpu.memory_space<vmem>>) offsets(%dma_start3A_295 : memref<32xi32, #tpu.memory_space<vmem>>) semaphore(%arg12 : memref<!tpu.dma_semaphore, #tpu.memory_space<semaphore_mem>>)
    %dma_wait3A_299 = arith.constant 3 : i32
    %dma_wait3A_300 = arith.constant 0 : i32
    %dma_wait3A_301 = tpu.memref_slice %arg5[%dma_wait3A_299, %dma_wait3A_300] : memref<16x32xi32, #tpu.memory_space<vmem>> -> memref<1x32xi32, #tpu.memory_space<vmem>>
    %dma_wait3A_302 = tpu.memref_squeeze %dma_wait3A_301 : memref<1x32xi32, #tpu.memory_space<vmem>> -> memref<32xi32, #tpu.memory_space<vmem>>
    %dma_wait3A_303 = arith.constant 0 : i32
    %dma_wait3A_304 = arith.constant 0 : i32
    %dma_wait3A_305 = tpu.memref_slice %arg2[%dma_wait3A_303, %dma_wait3A_304] : memref<32768x768xf32, #tpu.memory_space<hbm>> -> memref<32768x768xf32, #tpu.memory_space<hbm>>
    tpu.wait_indirect_dma semaphore(%arg13 : memref<!tpu.dma_semaphore, #tpu.memory_space<semaphore_mem>>) src(%dma_wait3A_305 : memref<32768x768xf32, #tpu.memory_space<hbm>>) dst(%arg9 : memref<32x768xf32, #tpu.memory_space<vmem>>)
    %add3A_306 = arith.constant 96 : i32
    %add3A_307 = arith.addi %mul3A_2, %add3A_306 : i32
    %dma_start3A_308 = arith.constant 0 : i32
    %dma_start3A_309 = tpu.memref_slice %arg4[%add3A_307, %dma_start3A_308] : memref<16384x768xf32, #tpu.memory_space<hbm>> -> memref<32x768xf32, #tpu.memory_space<hbm>>
    %dma_start3A_310 = arith.constant 0 : i32
    %dma_start3A_311 = tpu.memref_slice %arg4[%add3A_307, %dma_start3A_310] : memref<16384x768xf32, #tpu.memory_space<hbm>> -> memref<32x768xf32, #tpu.memory_space<hbm>>
    tpu.enqueue_dma source(%arg9 : memref<32x768xf32, #tpu.memory_space<vmem>>) target(%dma_start3A_311 : memref<32x768xf32, #tpu.memory_space<hbm>>) target_semaphore(%arg17 : memref<!tpu.dma_semaphore, #tpu.memory_space<semaphore_mem>>)
    %dma_wait3A_312 = arith.constant 0 : i32
    %dma_wait3A_313 = tpu.memref_slice %arg4[%add3A_307, %dma_wait3A_312] : memref<16384x768xf32, #tpu.memory_space<hbm>> -> memref<32x768xf32, #tpu.memory_space<hbm>>
    %dma_wait3A_314 = arith.constant 0 : i32
    %dma_wait3A_315 = tpu.memref_slice %arg4[%add3A_307, %dma_wait3A_314] : memref<16384x768xf32, #tpu.memory_space<hbm>> -> memref<32x768xf32, #tpu.memory_space<hbm>>
    tpu.wait_dma2 semaphore(%arg17 : memref<!tpu.dma_semaphore, #tpu.memory_space<semaphore_mem>>) src(%arg9 : memref<32x768xf32, #tpu.memory_space<vmem>>) dst(%dma_wait3A_315 : memref<32x768xf32, #tpu.memory_space<hbm>>)
    %get3A_316 = arith.constant 7 : i32
    %get3A_317 = arith.index_cast %get3A_316 : i32 to index
    %get3A_318 = arith.constant 0 : index
    %get3A_319 = tpu.vector_load %arg5[%get3A_317, %get3A_318] {strides = array<i32>} : memref<16x32xi32, #tpu.memory_space<vmem>>, vector<1x16xi32>,
    %get3A_320 = vector.shape_cast %get3A_319 : vector<1x16xi32> to vector<16xi32>
    %add3A_321 = vector.broadcast %mul3A_20 : i32 to vector<16xi32>
    %add3A_322 = arith.addi %get3A_320, %add3A_321 : vector<16xi32>
    %swap3A_323 = arith.constant 7 : i32
    %swap3A_324 = arith.index_cast %swap3A_323 : i32 to index
    %swap3A_325 = arith.constant 0 : index
    %swap3A_326 = tpu.vector_load %arg5[%swap3A_324, %swap3A_325] {strides = array<i32>} : memref<16x32xi32, #tpu.memory_space<vmem>>, vector<1x16xi32>,
    %swap3A_327 = vector.shape_cast %swap3A_326 : vector<1x16xi32> to vector<16xi32>
    %swap3A_328 = vector.shape_cast %add3A_322 : vector<16xi32> to vector<1x16xi32>
    tpu.vector_store %arg5[%swap3A_324, %swap3A_325], %swap3A_328 {strides = array<i32>} : memref<16x32xi32, #tpu.memory_space<vmem>>, vector<1x16xi32>,
    %get3A_329 = arith.constant 7 : i32
    %get3A_330 = arith.index_cast %get3A_329 : i32 to index
    %get3A_331 = arith.constant 16 : index
    %get3A_332 = tpu.vector_load %arg5[%get3A_330, %get3A_331] {strides = array<i32>} : memref<16x32xi32, #tpu.memory_space<vmem>>, vector<1x16xi32>,
    %get3A_333 = vector.shape_cast %get3A_332 : vector<1x16xi32> to vector<16xi32>
    %add3A_334 = vector.broadcast %mul3A_20 : i32 to vector<16xi32>
    %add3A_335 = arith.addi %get3A_333, %add3A_334 : vector<16xi32>
    %swap3A_336 = arith.constant 7 : i32
    %swap3A_337 = arith.index_cast %swap3A_336 : i32 to index
    %swap3A_338 = arith.constant 16 : index
    %swap3A_339 = tpu.vector_load %arg5[%swap3A_337, %swap3A_338] {strides = array<i32>} : memref<16x32xi32, #tpu.memory_space<vmem>>, vector<1x16xi32>,
    %swap3A_340 = vector.shape_cast %swap3A_339 : vector<1x16xi32> to vector<16xi32>
    %swap3A_341 = vector.shape_cast %add3A_335 : vector<16xi32> to vector<1x16xi32>
    tpu.vector_store %arg5[%swap3A_337, %swap3A_338], %swap3A_341 {strides = array<i32>} : memref<16x32xi32, #tpu.memory_space<vmem>>, vector<1x16xi32>,
    %dma_start3A_342 = arith.constant 7 : i32
    %dma_start3A_343 = arith.constant 0 : i32
    %dma_start3A_344 = tpu.memref_slice %arg5[%dma_start3A_342, %dma_start3A_343] : memref<16x32xi32, #tpu.memory_space<vmem>> -> memref<1x32xi32, #tpu.memory_space<vmem>>
    %dma_start3A_345 = tpu.memref_squeeze %dma_start3A_344 : memref<1x32xi32, #tpu.memory_space<vmem>> -> memref<32xi32, #tpu.memory_space<vmem>>
    %dma_start3A_346 = arith.constant 0 : i32
    %dma_start3A_347 = arith.constant 0 : i32
    %dma_start3A_348 = tpu.memref_slice %arg2[%dma_start3A_346, %dma_start3A_347] : memref<32768x768xf32, #tpu.memory_space<hbm>> -> memref<32768x768xf32, #tpu.memory_space<hbm>>
    tpu.enqueue_indirect_dma source(%dma_start3A_348 : memref<32768x768xf32, #tpu.memory_space<hbm>>) target(%arg9 : memref<32x768xf32, #tpu.memory_space<vmem>>) offsets(%dma_start3A_345 : memref<32xi32, #tpu.memory_space<vmem>>) semaphore(%arg13 : memref<!tpu.dma_semaphore, #tpu.memory_space<semaphore_mem>>)
    %dma_wait3A_349 = arith.constant 4 : i32
    %dma_wait3A_350 = arith.constant 0 : i32
    %dma_wait3A_351 = tpu.memref_slice %arg5[%dma_wait3A_349, %dma_wait3A_350] : memref<16x32xi32, #tpu.memory_space<vmem>> -> memref<1x32xi32, #tpu.memory_space<vmem>>
    %dma_wait3A_352 = tpu.memref_squeeze %dma_wait3A_351 : memref<1x32xi32, #tpu.memory_space<vmem>> -> memref<32xi32, #tpu.memory_space<vmem>>
    %dma_wait3A_353 = arith.constant 0 : i32
    %dma_wait3A_354 = arith.constant 0 : i32
    %dma_wait3A_355 = tpu.memref_slice %arg2[%dma_wait3A_353, %dma_wait3A_354] : memref<32768x768xf32, #tpu.memory_space<hbm>> -> memref<32768x768xf32, #tpu.memory_space<hbm>>
    tpu.wait_indirect_dma semaphore(%arg10 : memref<!tpu.dma_semaphore, #tpu.memory_space<semaphore_mem>>) src(%dma_wait3A_355 : memref<32768x768xf32, #tpu.memory_space<hbm>>) dst(%arg6 : memref<32x768xf32, #tpu.memory_space<vmem>>)
    %add3A_356 = arith.constant 128 : i32
    %add3A_357 = arith.addi %mul3A_2, %add3A_356 : i32
    %dma_start3A_358 = arith.constant 0 : i32
    %dma_start3A_359 = tpu.memref_slice %arg4[%add3A_357, %dma_start3A_358] : memref<16384x768xf32, #tpu.memory_space<hbm>> -> memref<32x768xf32, #tpu.memory_space<hbm>>
    %dma_start3A_360 = arith.constant 0 : i32
    %dma_start3A_361 = tpu.memref_slice %arg4[%add3A_357, %dma_start3A_360] : memref<16384x768xf32, #tpu.memory_space<hbm>> -> memref<32x768xf32, #tpu.memory_space<hbm>>
    tpu.enqueue_dma source(%arg6 : memref<32x768xf32, #tpu.memory_space<vmem>>) target(%dma_start3A_361 : memref<32x768xf32, #tpu.memory_space<hbm>>) target_semaphore(%arg14 : memref<!tpu.dma_semaphore, #tpu.memory_space<semaphore_mem>>)
    %dma_wait3A_362 = arith.constant 0 : i32
    %dma_wait3A_363 = tpu.memref_slice %arg4[%add3A_357, %dma_wait3A_362] : memref<16384x768xf32, #tpu.memory_space<hbm>> -> memref<32x768xf32, #tpu.memory_space<hbm>>
    %dma_wait3A_364 = arith.constant 0 : i32
    %dma_wait3A_365 = tpu.memref_slice %arg4[%add3A_357, %dma_wait3A_364] : memref<16384x768xf32, #tpu.memory_space<hbm>> -> memref<32x768xf32, #tpu.memory_space<hbm>>
    tpu.wait_dma2 semaphore(%arg14 : memref<!tpu.dma_semaphore, #tpu.memory_space<semaphore_mem>>) src(%arg6 : memref<32x768xf32, #tpu.memory_space<vmem>>) dst(%dma_wait3A_365 : memref<32x768xf32, #tpu.memory_space<hbm>>)
    %get3A_366 = arith.constant 8 : i32
    %get3A_367 = arith.index_cast %get3A_366 : i32 to index
    %get3A_368 = arith.constant 0 : index
    %get3A_369 = tpu.vector_load %arg5[%get3A_367, %get3A_368] {strides = array<i32>} : memref<16x32xi32, #tpu.memory_space<vmem>>, vector<1x16xi32>,
    %get3A_370 = vector.shape_cast %get3A_369 : vector<1x16xi32> to vector<16xi32>
    %add3A_371 = vector.broadcast %mul3A_20 : i32 to vector<16xi32>
    %add3A_372 = arith.addi %get3A_370, %add3A_371 : vector<16xi32>
    %swap3A_373 = arith.constant 8 : i32
    %swap3A_374 = arith.index_cast %swap3A_373 : i32 to index
    %swap3A_375 = arith.constant 0 : index
    %swap3A_376 = tpu.vector_load %arg5[%swap3A_374, %swap3A_375] {strides = array<i32>} : memref<16x32xi32, #tpu.memory_space<vmem>>, vector<1x16xi32>,
    %swap3A_377 = vector.shape_cast %swap3A_376 : vector<1x16xi32> to vector<16xi32>
    %swap3A_378 = vector.shape_cast %add3A_372 : vector<16xi32> to vector<1x16xi32>
    tpu.vector_store %arg5[%swap3A_374, %swap3A_375], %swap3A_378 {strides = array<i32>} : memref<16x32xi32, #tpu.memory_space<vmem>>, vector<1x16xi32>,
    %get3A_379 = arith.constant 8 : i32
    %get3A_380 = arith.index_cast %get3A_379 : i32 to index
    %get3A_381 = arith.constant 16 : index
    %get3A_382 = tpu.vector_load %arg5[%get3A_380, %get3A_381] {strides = array<i32>} : memref<16x32xi32, #tpu.memory_space<vmem>>, vector<1x16xi32>,
    %get3A_383 = vector.shape_cast %get3A_382 : vector<1x16xi32> to vector<16xi32>
    %add3A_384 = vector.broadcast %mul3A_20 : i32 to vector<16xi32>
    %add3A_385 = arith.addi %get3A_383, %add3A_384 : vector<16xi32>
    %swap3A_386 = arith.constant 8 : i32
    %swap3A_387 = arith.index_cast %swap3A_386 : i32 to index
    %swap3A_388 = arith.constant 16 : index
    %swap3A_389 = tpu.vector_load %arg5[%swap3A_387, %swap3A_388] {strides = array<i32>} : memref<16x32xi32, #tpu.memory_space<vmem>>, vector<1x16xi32>,
    %swap3A_390 = vector.shape_cast %swap3A_389 : vector<1x16xi32> to vector<16xi32>
    %swap3A_391 = vector.shape_cast %add3A_385 : vector<16xi32> to vector<1x16xi32>
    tpu.vector_store %arg5[%swap3A_387, %swap3A_388], %swap3A_391 {strides = array<i32>} : memref<16x32xi32, #tpu.memory_space<vmem>>, vector<1x16xi32>,
    %dma_start3A_392 = arith.constant 8 : i32
    %dma_start3A_393 = arith.constant 0 : i32
    %dma_start3A_394 = tpu.memref_slice %arg5[%dma_start3A_392, %dma_start3A_393] : memref<16x32xi32, #tpu.memory_space<vmem>> -> memref<1x32xi32, #tpu.memory_space<vmem>>
    %dma_start3A_395 = tpu.memref_squeeze %dma_start3A_394 : memref<1x32xi32, #tpu.memory_space<vmem>> -> memref<32xi32, #tpu.memory_space<vmem>>
    %dma_start3A_396 = arith.constant 0 : i32
    %dma_start3A_397 = arith.constant 0 : i32
    %dma_start3A_398 = tpu.memref_slice %arg2[%dma_start3A_396, %dma_start3A_397] : memref<32768x768xf32, #tpu.memory_space<hbm>> -> memref<32768x768xf32, #tpu.memory_space<hbm>>
    tpu.enqueue_indirect_dma source(%dma_start3A_398 : memref<32768x768xf32, #tpu.memory_space<hbm>>) target(%arg6 : memref<32x768xf32, #tpu.memory_space<vmem>>) offsets(%dma_start3A_395 : memref<32xi32, #tpu.memory_space<vmem>>) semaphore(%arg10 : memref<!tpu.dma_semaphore, #tpu.memory_space<semaphore_mem>>)
    %dma_wait3A_399 = arith.constant 5 : i32
    %dma_wait3A_400 = arith.constant 0 : i32
    %dma_wait3A_401 = tpu.memref_slice %arg5[%dma_wait3A_399, %dma_wait3A_400] : memref<16x32xi32, #tpu.memory_space<vmem>> -> memref<1x32xi32, #tpu.memory_space<vmem>>
    %dma_wait3A_402 = tpu.memref_squeeze %dma_wait3A_401 : memref<1x32xi32, #tpu.memory_space<vmem>> -> memref<32xi32, #tpu.memory_space<vmem>>
    %dma_wait3A_403 = arith.constant 0 : i32
    %dma_wait3A_404 = arith.constant 0 : i32
    %dma_wait3A_405 = tpu.memref_slice %arg2[%dma_wait3A_403, %dma_wait3A_404] : memref<32768x768xf32, #tpu.memory_space<hbm>> -> memref<32768x768xf32, #tpu.memory_space<hbm>>
    tpu.wait_indirect_dma semaphore(%arg11 : memref<!tpu.dma_semaphore, #tpu.memory_space<semaphore_mem>>) src(%dma_wait3A_405 : memref<32768x768xf32, #tpu.memory_space<hbm>>) dst(%arg7 : memref<32x768xf32, #tpu.memory_space<vmem>>)
    %add3A_406 = arith.constant 160 : i32
    %add3A_407 = arith.addi %mul3A_2, %add3A_406 : i32
    %dma_start3A_408 = arith.constant 0 : i32
    %dma_start3A_409 = tpu.memref_slice %arg4[%add3A_407, %dma_start3A_408] : memref<16384x768xf32, #tpu.memory_space<hbm>> -> memref<32x768xf32, #tpu.memory_space<hbm>>
    %dma_start3A_410 = arith.constant 0 : i32
    %dma_start3A_411 = tpu.memref_slice %arg4[%add3A_407, %dma_start3A_410] : memref<16384x768xf32, #tpu.memory_space<hbm>> -> memref<32x768xf32, #tpu.memory_space<hbm>>
    tpu.enqueue_dma source(%arg7 : memref<32x768xf32, #tpu.memory_space<vmem>>) target(%dma_start3A_411 : memref<32x768xf32, #tpu.memory_space<hbm>>) target_semaphore(%arg15 : memref<!tpu.dma_semaphore, #tpu.memory_space<semaphore_mem>>)
    %dma_wait3A_412 = arith.constant 0 : i32
    %dma_wait3A_413 = tpu.memref_slice %arg4[%add3A_407, %dma_wait3A_412] : memref<16384x768xf32, #tpu.memory_space<hbm>> -> memref<32x768xf32, #tpu.memory_space<hbm>>
    %dma_wait3A_414 = arith.constant 0 : i32
    %dma_wait3A_415 = tpu.memref_slice %arg4[%add3A_407, %dma_wait3A_414] : memref<16384x768xf32, #tpu.memory_space<hbm>> -> memref<32x768xf32, #tpu.memory_space<hbm>>
    tpu.wait_dma2 semaphore(%arg15 : memref<!tpu.dma_semaphore, #tpu.memory_space<semaphore_mem>>) src(%arg7 : memref<32x768xf32, #tpu.memory_space<vmem>>) dst(%dma_wait3A_415 : memref<32x768xf32, #tpu.memory_space<hbm>>)
    %get3A_416 = arith.constant 9 : i32
    %get3A_417 = arith.index_cast %get3A_416 : i32 to index
    %get3A_418 = arith.constant 0 : index
    %get3A_419 = tpu.vector_load %arg5[%get3A_417, %get3A_418] {strides = array<i32>} : memref<16x32xi32, #tpu.memory_space<vmem>>, vector<1x16xi32>,
    %get3A_420 = vector.shape_cast %get3A_419 : vector<1x16xi32> to vector<16xi32>
    %add3A_421 = vector.broadcast %mul3A_20 : i32 to vector<16xi32>
    %add3A_422 = arith.addi %get3A_420, %add3A_421 : vector<16xi32>
    %swap3A_423 = arith.constant 9 : i32
    %swap3A_424 = arith.index_cast %swap3A_423 : i32 to index
    %swap3A_425 = arith.constant 0 : index
    %swap3A_426 = tpu.vector_load %arg5[%swap3A_424, %swap3A_425] {strides = array<i32>} : memref<16x32xi32, #tpu.memory_space<vmem>>, vector<1x16xi32>,
    %swap3A_427 = vector.shape_cast %swap3A_426 : vector<1x16xi32> to vector<16xi32>
    %swap3A_428 = vector.shape_cast %add3A_422 : vector<16xi32> to vector<1x16xi32>
    tpu.vector_store %arg5[%swap3A_424, %swap3A_425], %swap3A_428 {strides = array<i32>} : memref<16x32xi32, #tpu.memory_space<vmem>>, vector<1x16xi32>,
    %get3A_429 = arith.constant 9 : i32
    %get3A_430 = arith.index_cast %get3A_429 : i32 to index
    %get3A_431 = arith.constant 16 : index
    %get3A_432 = tpu.vector_load %arg5[%get3A_430, %get3A_431] {strides = array<i32>} : memref<16x32xi32, #tpu.memory_space<vmem>>, vector<1x16xi32>,
    %get3A_433 = vector.shape_cast %get3A_432 : vector<1x16xi32> to vector<16xi32>
    %add3A_434 = vector.broadcast %mul3A_20 : i32 to vector<16xi32>
    %add3A_435 = arith.addi %get3A_433, %add3A_434 : vector<16xi32>
    %swap3A_436 = arith.constant 9 : i32
    %swap3A_437 = arith.index_cast %swap3A_436 : i32 to index
    %swap3A_438 = arith.constant 16 : index
    %swap3A_439 = tpu.vector_load %arg5[%swap3A_437, %swap3A_438] {strides = array<i32>} : memref<16x32xi32, #tpu.memory_space<vmem>>, vector<1x16xi32>,
    %swap3A_440 = vector.shape_cast %swap3A_439 : vector<1x16xi32> to vector<16xi32>
    %swap3A_441 = vector.shape_cast %add3A_435 : vector<16xi32> to vector<1x16xi32>
    tpu.vector_store %arg5[%swap3A_437, %swap3A_438], %swap3A_441 {strides = array<i32>} : memref<16x32xi32, #tpu.memory_space<vmem>>, vector<1x16xi32>,
    %dma_start3A_442 = arith.constant 9 : i32
    %dma_start3A_443 = arith.constant 0 : i32
    %dma_start3A_444 = tpu.memref_slice %arg5[%dma_start3A_442, %dma_start3A_443] : memref<16x32xi32, #tpu.memory_space<vmem>> -> memref<1x32xi32, #tpu.memory_space<vmem>>
    %dma_start3A_445 = tpu.memref_squeeze %dma_start3A_444 : memref<1x32xi32, #tpu.memory_space<vmem>> -> memref<32xi32, #tpu.memory_space<vmem>>
    %dma_start3A_446 = arith.constant 0 : i32
    %dma_start3A_447 = arith.constant 0 : i32
    %dma_start3A_448 = tpu.memref_slice %arg2[%dma_start3A_446, %dma_start3A_447] : memref<32768x768xf32, #tpu.memory_space<hbm>> -> memref<32768x768xf32, #tpu.memory_space<hbm>>
    tpu.enqueue_indirect_dma source(%dma_start3A_448 : memref<32768x768xf32, #tpu.memory_space<hbm>>) target(%arg7 : memref<32x768xf32, #tpu.memory_space<vmem>>) offsets(%dma_start3A_445 : memref<32xi32, #tpu.memory_space<vmem>>) semaphore(%arg11 : memref<!tpu.dma_semaphore, #tpu.memory_space<semaphore_mem>>)
    %dma_wait3A_449 = arith.constant 6 : i32
    %dma_wait3A_450 = arith.constant 0 : i32
    %dma_wait3A_451 = tpu.memref_slice %arg5[%dma_wait3A_449, %dma_wait3A_450] : memref<16x32xi32, #tpu.memory_space<vmem>> -> memref<1x32xi32, #tpu.memory_space<vmem>>
    %dma_wait3A_452 = tpu.memref_squeeze %dma_wait3A_451 : memref<1x32xi32, #tpu.memory_space<vmem>> -> memref<32xi32, #tpu.memory_space<vmem>>
    %dma_wait3A_453 = arith.constant 0 : i32
    %dma_wait3A_454 = arith.constant 0 : i32
    %dma_wait3A_455 = tpu.memref_slice %arg2[%dma_wait3A_453, %dma_wait3A_454] : memref<32768x768xf32, #tpu.memory_space<hbm>> -> memref<32768x768xf32, #tpu.memory_space<hbm>>
    tpu.wait_indirect_dma semaphore(%arg12 : memref<!tpu.dma_semaphore, #tpu.memory_space<semaphore_mem>>) src(%dma_wait3A_455 : memref<32768x768xf32, #tpu.memory_space<hbm>>) dst(%arg8 : memref<32x768xf32, #tpu.memory_space<vmem>>)
    %add3A_456 = arith.constant 192 : i32
    %add3A_457 = arith.addi %mul3A_2, %add3A_456 : i32
    %dma_start3A_458 = arith.constant 0 : i32
    %dma_start3A_459 = tpu.memref_slice %arg4[%add3A_457, %dma_start3A_458] : memref<16384x768xf32, #tpu.memory_space<hbm>> -> memref<32x768xf32, #tpu.memory_space<hbm>>
    %dma_start3A_460 = arith.constant 0 : i32
    %dma_start3A_461 = tpu.memref_slice %arg4[%add3A_457, %dma_start3A_460] : memref<16384x768xf32, #tpu.memory_space<hbm>> -> memref<32x768xf32, #tpu.memory_space<hbm>>
    tpu.enqueue_dma source(%arg8 : memref<32x768xf32, #tpu.memory_space<vmem>>) target(%dma_start3A_461 : memref<32x768xf32, #tpu.memory_space<hbm>>) target_semaphore(%arg16 : memref<!tpu.dma_semaphore, #tpu.memory_space<semaphore_mem>>)
    %dma_wait3A_462 = arith.constant 0 : i32
    %dma_wait3A_463 = tpu.memref_slice %arg4[%add3A_457, %dma_wait3A_462] : memref<16384x768xf32, #tpu.memory_space<hbm>> -> memref<32x768xf32, #tpu.memory_space<hbm>>
    %dma_wait3A_464 = arith.constant 0 : i32
    %dma_wait3A_465 = tpu.memref_slice %arg4[%add3A_457, %dma_wait3A_464] : memref<16384x768xf32, #tpu.memory_space<hbm>> -> memref<32x768xf32, #tpu.memory_space<hbm>>
    tpu.wait_dma2 semaphore(%arg16 : memref<!tpu.dma_semaphore, #tpu.memory_space<semaphore_mem>>) src(%arg8 : memref<32x768xf32, #tpu.memory_space<vmem>>) dst(%dma_wait3A_465 : memref<32x768xf32, #tpu.memory_space<hbm>>)
    %get3A_466 = arith.constant 10 : i32
    %get3A_467 = arith.index_cast %get3A_466 : i32 to index
    %get3A_468 = arith.constant 0 : index
    %get3A_469 = tpu.vector_load %arg5[%get3A_467, %get3A_468] {strides = array<i32>} : memref<16x32xi32, #tpu.memory_space<vmem>>, vector<1x16xi32>,
    %get3A_470 = vector.shape_cast %get3A_469 : vector<1x16xi32> to vector<16xi32>
    %add3A_471 = vector.broadcast %mul3A_20 : i32 to vector<16xi32>
    %add3A_472 = arith.addi %get3A_470, %add3A_471 : vector<16xi32>
    %swap3A_473 = arith.constant 10 : i32
    %swap3A_474 = arith.index_cast %swap3A_473 : i32 to index
    %swap3A_475 = arith.constant 0 : index
    %swap3A_476 = tpu.vector_load %arg5[%swap3A_474, %swap3A_475] {strides = array<i32>} : memref<16x32xi32, #tpu.memory_space<vmem>>, vector<1x16xi32>,
    %swap3A_477 = vector.shape_cast %swap3A_476 : vector<1x16xi32> to vector<16xi32>
    %swap3A_478 = vector.shape_cast %add3A_472 : vector<16xi32> to vector<1x16xi32>
    tpu.vector_store %arg5[%swap3A_474, %swap3A_475], %swap3A_478 {strides = array<i32>} : memref<16x32xi32, #tpu.memory_space<vmem>>, vector<1x16xi32>,
    %get3A_479 = arith.constant 10 : i32
    %get3A_480 = arith.index_cast %get3A_479 : i32 to index
    %get3A_481 = arith.constant 16 : index
    %get3A_482 = tpu.vector_load %arg5[%get3A_480, %get3A_481] {strides = array<i32>} : memref<16x32xi32, #tpu.memory_space<vmem>>, vector<1x16xi32>,
    %get3A_483 = vector.shape_cast %get3A_482 : vector<1x16xi32> to vector<16xi32>
    %add3A_484 = vector.broadcast %mul3A_20 : i32 to vector<16xi32>
    %add3A_485 = arith.addi %get3A_483, %add3A_484 : vector<16xi32>
    %swap3A_486 = arith.constant 10 : i32
    %swap3A_487 = arith.index_cast %swap3A_486 : i32 to index
    %swap3A_488 = arith.constant 16 : index
    %swap3A_489 = tpu.vector_load %arg5[%swap3A_487, %swap3A_488] {strides = array<i32>} : memref<16x32xi32, #tpu.memory_space<vmem>>, vector<1x16xi32>,
    %swap3A_490 = vector.shape_cast %swap3A_489 : vector<1x16xi32> to vector<16xi32>
    %swap3A_491 = vector.shape_cast %add3A_485 : vector<16xi32> to vector<1x16xi32>
    tpu.vector_store %arg5[%swap3A_487, %swap3A_488], %swap3A_491 {strides = array<i32>} : memref<16x32xi32, #tpu.memory_space<vmem>>, vector<1x16xi32>,
    %dma_start3A_492 = arith.constant 10 : i32
    %dma_start3A_493 = arith.constant 0 : i32
    %dma_start3A_494 = tpu.memref_slice %arg5[%dma_start3A_492, %dma_start3A_493] : memref<16x32xi32, #tpu.memory_space<vmem>> -> memref<1x32xi32, #tpu.memory_space<vmem>>
    %dma_start3A_495 = tpu.memref_squeeze %dma_start3A_494 : memref<1x32xi32, #tpu.memory_space<vmem>> -> memref<32xi32, #tpu.memory_space<vmem>>
    %dma_start3A_496 = arith.constant 0 : i32
    %dma_start3A_497 = arith.constant 0 : i32
    %dma_start3A_498 = tpu.memref_slice %arg2[%dma_start3A_496, %dma_start3A_497] : memref<32768x768xf32, #tpu.memory_space<hbm>> -> memref<32768x768xf32, #tpu.memory_space<hbm>>
    tpu.enqueue_indirect_dma source(%dma_start3A_498 : memref<32768x768xf32, #tpu.memory_space<hbm>>) target(%arg8 : memref<32x768xf32, #tpu.memory_space<vmem>>) offsets(%dma_start3A_495 : memref<32xi32, #tpu.memory_space<vmem>>) semaphore(%arg12 : memref<!tpu.dma_semaphore, #tpu.memory_space<semaphore_mem>>)
    %dma_wait3A_499 = arith.constant 7 : i32
    %dma_wait3A_500 = arith.constant 0 : i32
    %dma_wait3A_501 = tpu.memref_slice %arg5[%dma_wait3A_499, %dma_wait3A_500] : memref<16x32xi32, #tpu.memory_space<vmem>> -> memref<1x32xi32, #tpu.memory_space<vmem>>
    %dma_wait3A_502 = tpu.memref_squeeze %dma_wait3A_501 : memref<1x32xi32, #tpu.memory_space<vmem>> -> memref<32xi32, #tpu.memory_space<vmem>>
    %dma_wait3A_503 = arith.constant 0 : i32
    %dma_wait3A_504 = arith.constant 0 : i32
    %dma_wait3A_505 = tpu.memref_slice %arg2[%dma_wait3A_503, %dma_wait3A_504] : memref<32768x768xf32, #tpu.memory_space<hbm>> -> memref<32768x768xf32, #tpu.memory_space<hbm>>
    tpu.wait_indirect_dma semaphore(%arg13 : memref<!tpu.dma_semaphore, #tpu.memory_space<semaphore_mem>>) src(%dma_wait3A_505 : memref<32768x768xf32, #tpu.memory_space<hbm>>) dst(%arg9 : memref<32x768xf32, #tpu.memory_space<vmem>>)
    %add3A_506 = arith.constant 224 : i32
    %add3A_507 = arith.addi %mul3A_2, %add3A_506 : i32
    %dma_start3A_508 = arith.constant 0 : i32
    %dma_start3A_509 = tpu.memref_slice %arg4[%add3A_507, %dma_start3A_508] : memref<16384x768xf32, #tpu.memory_space<hbm>> -> memref<32x768xf32, #tpu.memory_space<hbm>>
    %dma_start3A_510 = arith.constant 0 : i32
    %dma_start3A_511 = tpu.memref_slice %arg4[%add3A_507, %dma_start3A_510] : memref<16384x768xf32, #tpu.memory_space<hbm>> -> memref<32x768xf32, #tpu.memory_space<hbm>>
    tpu.enqueue_dma source(%arg9 : memref<32x768xf32, #tpu.memory_space<vmem>>) target(%dma_start3A_511 : memref<32x768xf32, #tpu.memory_space<hbm>>) target_semaphore(%arg17 : memref<!tpu.dma_semaphore, #tpu.memory_space<semaphore_mem>>)
    %dma_wait3A_512 = arith.constant 0 : i32
    %dma_wait3A_513 = tpu.memref_slice %arg4[%add3A_507, %dma_wait3A_512] : memref<16384x768xf32, #tpu.memory_space<hbm>> -> memref<32x768xf32, #tpu.memory_space<hbm>>
    %dma_wait3A_514 = arith.constant 0 : i32
    %dma_wait3A_515 = tpu.memref_slice %arg4[%add3A_507, %dma_wait3A_514] : memref<16384x768xf32, #tpu.memory_space<hbm>> -> memref<32x768xf32, #tpu.memory_space<hbm>>
    tpu.wait_dma2 semaphore(%arg17 : memref<!tpu.dma_semaphore, #tpu.memory_space<semaphore_mem>>) src(%arg9 : memref<32x768xf32, #tpu.memory_space<vmem>>) dst(%dma_wait3A_515 : memref<32x768xf32, #tpu.memory_space<hbm>>)
    %get3A_516 = arith.constant 11 : i32
    %get3A_517 = arith.index_cast %get3A_516 : i32 to index
    %get3A_518 = arith.constant 0 : index
    %get3A_519 = tpu.vector_load %arg5[%get3A_517, %get3A_518] {strides = array<i32>} : memref<16x32xi32, #tpu.memory_space<vmem>>, vector<1x16xi32>,
    %get3A_520 = vector.shape_cast %get3A_519 : vector<1x16xi32> to vector<16xi32>
    %add3A_521 = vector.broadcast %mul3A_20 : i32 to vector<16xi32>
    %add3A_522 = arith.addi %get3A_520, %add3A_521 : vector<16xi32>
    %swap3A_523 = arith.constant 11 : i32
    %swap3A_524 = arith.index_cast %swap3A_523 : i32 to index
    %swap3A_525 = arith.constant 0 : index
    %swap3A_526 = tpu.vector_load %arg5[%swap3A_524, %swap3A_525] {strides = array<i32>} : memref<16x32xi32, #tpu.memory_space<vmem>>, vector<1x16xi32>,
    %swap3A_527 = vector.shape_cast %swap3A_526 : vector<1x16xi32> to vector<16xi32>
    %swap3A_528 = vector.shape_cast %add3A_522 : vector<16xi32> to vector<1x16xi32>
    tpu.vector_store %arg5[%swap3A_524, %swap3A_525], %swap3A_528 {strides = array<i32>} : memref<16x32xi32, #tpu.memory_space<vmem>>, vector<1x16xi32>,
    %get3A_529 = arith.constant 11 : i32
    %get3A_530 = arith.index_cast %get3A_529 : i32 to index
    %get3A_531 = arith.constant 16 : index
    %get3A_532 = tpu.vector_load %arg5[%get3A_530, %get3A_531] {strides = array<i32>} : memref<16x32xi32, #tpu.memory_space<vmem>>, vector<1x16xi32>,
    %get3A_533 = vector.shape_cast %get3A_532 : vector<1x16xi32> to vector<16xi32>
    %add3A_534 = vector.broadcast %mul3A_20 : i32 to vector<16xi32>
    %add3A_535 = arith.addi %get3A_533, %add3A_534 : vector<16xi32>
    %swap3A_536 = arith.constant 11 : i32
    %swap3A_537 = arith.index_cast %swap3A_536 : i32 to index
    %swap3A_538 = arith.constant 16 : index
    %swap3A_539 = tpu.vector_load %arg5[%swap3A_537, %swap3A_538] {strides = array<i32>} : memref<16x32xi32, #tpu.memory_space<vmem>>, vector<1x16xi32>,
    %swap3A_540 = vector.shape_cast %swap3A_539 : vector<1x16xi32> to vector<16xi32>
    %swap3A_541 = vector.shape_cast %add3A_535 : vector<16xi32> to vector<1x16xi32>
    tpu.vector_store %arg5[%swap3A_537, %swap3A_538], %swap3A_541 {strides = array<i32>} : memref<16x32xi32, #tpu.memory_space<vmem>>, vector<1x16xi32>,
    %dma_start3A_542 = arith.constant 11 : i32
    %dma_start3A_543 = arith.constant 0 : i32
    %dma_start3A_544 = tpu.memref_slice %arg5[%dma_start3A_542, %dma_start3A_543] : memref<16x32xi32, #tpu.memory_space<vmem>> -> memref<1x32xi32, #tpu.memory_space<vmem>>
    %dma_start3A_545 = tpu.memref_squeeze %dma_start3A_544 : memref<1x32xi32, #tpu.memory_space<vmem>> -> memref<32xi32, #tpu.memory_space<vmem>>
    %dma_start3A_546 = arith.constant 0 : i32
    %dma_start3A_547 = arith.constant 0 : i32
    %dma_start3A_548 = tpu.memref_slice %arg2[%dma_start3A_546, %dma_start3A_547] : memref<32768x768xf32, #tpu.memory_space<hbm>> -> memref<32768x768xf32, #tpu.memory_space<hbm>>
    tpu.enqueue_indirect_dma source(%dma_start3A_548 : memref<32768x768xf32, #tpu.memory_space<hbm>>) target(%arg9 : memref<32x768xf32, #tpu.memory_space<vmem>>) offsets(%dma_start3A_545 : memref<32xi32, #tpu.memory_space<vmem>>) semaphore(%arg13 : memref<!tpu.dma_semaphore, #tpu.memory_space<semaphore_mem>>)
    %dma_wait3A_549 = arith.constant 8 : i32
    %dma_wait3A_550 = arith.constant 0 : i32
    %dma_wait3A_551 = tpu.memref_slice %arg5[%dma_wait3A_549, %dma_wait3A_550] : memref<16x32xi32, #tpu.memory_space<vmem>> -> memref<1x32xi32, #tpu.memory_space<vmem>>
    %dma_wait3A_552 = tpu.memref_squeeze %dma_wait3A_551 : memref<1x32xi32, #tpu.memory_space<vmem>> -> memref<32xi32, #tpu.memory_space<vmem>>
    %dma_wait3A_553 = arith.constant 0 : i32
    %dma_wait3A_554 = arith.constant 0 : i32
    %dma_wait3A_555 = tpu.memref_slice %arg2[%dma_wait3A_553, %dma_wait3A_554] : memref<32768x768xf32, #tpu.memory_space<hbm>> -> memref<32768x768xf32, #tpu.memory_space<hbm>>
    tpu.wait_indirect_dma semaphore(%arg10 : memref<!tpu.dma_semaphore, #tpu.memory_space<semaphore_mem>>) src(%dma_wait3A_555 : memref<32768x768xf32, #tpu.memory_space<hbm>>) dst(%arg6 : memref<32x768xf32, #tpu.memory_space<vmem>>)
    %add3A_556 = arith.constant 256 : i32
    %add3A_557 = arith.addi %mul3A_2, %add3A_556 : i32
    %dma_start3A_558 = arith.constant 0 : i32
    %dma_start3A_559 = tpu.memref_slice %arg4[%add3A_557, %dma_start3A_558] : memref<16384x768xf32, #tpu.memory_space<hbm>> -> memref<32x768xf32, #tpu.memory_space<hbm>>
    %dma_start3A_560 = arith.constant 0 : i32
    %dma_start3A_561 = tpu.memref_slice %arg4[%add3A_557, %dma_start3A_560] : memref<16384x768xf32, #tpu.memory_space<hbm>> -> memref<32x768xf32, #tpu.memory_space<hbm>>
    tpu.enqueue_dma source(%arg6 : memref<32x768xf32, #tpu.memory_space<vmem>>) target(%dma_start3A_561 : memref<32x768xf32, #tpu.memory_space<hbm>>) target_semaphore(%arg14 : memref<!tpu.dma_semaphore, #tpu.memory_space<semaphore_mem>>)
    %dma_wait3A_562 = arith.constant 0 : i32
    %dma_wait3A_563 = tpu.memref_slice %arg4[%add3A_557, %dma_wait3A_562] : memref<16384x768xf32, #tpu.memory_space<hbm>> -> memref<32x768xf32, #tpu.memory_space<hbm>>
    %dma_wait3A_564 = arith.constant 0 : i32
    %dma_wait3A_565 = tpu.memref_slice %arg4[%add3A_557, %dma_wait3A_564] : memref<16384x768xf32, #tpu.memory_space<hbm>> -> memref<32x768xf32, #tpu.memory_space<hbm>>
    tpu.wait_dma2 semaphore(%arg14 : memref<!tpu.dma_semaphore, #tpu.memory_space<semaphore_mem>>) src(%arg6 : memref<32x768xf32, #tpu.memory_space<vmem>>) dst(%dma_wait3A_565 : memref<32x768xf32, #tpu.memory_space<hbm>>)
    %get3A_566 = arith.constant 12 : i32
    %get3A_567 = arith.index_cast %get3A_566 : i32 to index
    %get3A_568 = arith.constant 0 : index
    %get3A_569 = tpu.vector_load %arg5[%get3A_567, %get3A_568] {strides = array<i32>} : memref<16x32xi32, #tpu.memory_space<vmem>>, vector<1x16xi32>,
    %get3A_570 = vector.shape_cast %get3A_569 : vector<1x16xi32> to vector<16xi32>
    %add3A_571 = vector.broadcast %mul3A_20 : i32 to vector<16xi32>
    %add3A_572 = arith.addi %get3A_570, %add3A_571 : vector<16xi32>
    %swap3A_573 = arith.constant 12 : i32
    %swap3A_574 = arith.index_cast %swap3A_573 : i32 to index
    %swap3A_575 = arith.constant 0 : index
    %swap3A_576 = tpu.vector_load %arg5[%swap3A_574, %swap3A_575] {strides = array<i32>} : memref<16x32xi32, #tpu.memory_space<vmem>>, vector<1x16xi32>,
    %swap3A_577 = vector.shape_cast %swap3A_576 : vector<1x16xi32> to vector<16xi32>
    %swap3A_578 = vector.shape_cast %add3A_572 : vector<16xi32> to vector<1x16xi32>
    tpu.vector_store %arg5[%swap3A_574, %swap3A_575], %swap3A_578 {strides = array<i32>} : memref<16x32xi32, #tpu.memory_space<vmem>>, vector<1x16xi32>,
    %get3A_579 = arith.constant 12 : i32
    %get3A_580 = arith.index_cast %get3A_579 : i32 to index
    %get3A_581 = arith.constant 16 : index
    %get3A_582 = tpu.vector_load %arg5[%get3A_580, %get3A_581] {strides = array<i32>} : memref<16x32xi32, #tpu.memory_space<vmem>>, vector<1x16xi32>,
    %get3A_583 = vector.shape_cast %get3A_582 : vector<1x16xi32> to vector<16xi32>
    %add3A_584 = vector.broadcast %mul3A_20 : i32 to vector<16xi32>
    %add3A_585 = arith.addi %get3A_583, %add3A_584 : vector<16xi32>
    %swap3A_586 = arith.constant 12 : i32
    %swap3A_587 = arith.index_cast %swap3A_586 : i32 to index
    %swap3A_588 = arith.constant 16 : index
    %swap3A_589 = tpu.vector_load %arg5[%swap3A_587, %swap3A_588] {strides = array<i32>} : memref<16x32xi32, #tpu.memory_space<vmem>>, vector<1x16xi32>,
    %swap3A_590 = vector.shape_cast %swap3A_589 : vector<1x16xi32> to vector<16xi32>
    %swap3A_591 = vector.shape_cast %add3A_585 : vector<16xi32> to vector<1x16xi32>
    tpu.vector_store %arg5[%swap3A_587, %swap3A_588], %swap3A_591 {strides = array<i32>} : memref<16x32xi32, #tpu.memory_space<vmem>>, vector<1x16xi32>,
    %dma_start3A_592 = arith.constant 12 : i32
    %dma_start3A_593 = arith.constant 0 : i32
    %dma_start3A_594 = tpu.memref_slice %arg5[%dma_start3A_592, %dma_start3A_593] : memref<16x32xi32, #tpu.memory_space<vmem>> -> memref<1x32xi32, #tpu.memory_space<vmem>>
    %dma_start3A_595 = tpu.memref_squeeze %dma_start3A_594 : memref<1x32xi32, #tpu.memory_space<vmem>> -> memref<32xi32, #tpu.memory_space<vmem>>
    %dma_start3A_596 = arith.constant 0 : i32
    %dma_start3A_597 = arith.constant 0 : i32
    %dma_start3A_598 = tpu.memref_slice %arg2[%dma_start3A_596, %dma_start3A_597] : memref<32768x768xf32, #tpu.memory_space<hbm>> -> memref<32768x768xf32, #tpu.memory_space<hbm>>
    tpu.enqueue_indirect_dma source(%dma_start3A_598 : memref<32768x768xf32, #tpu.memory_space<hbm>>) target(%arg6 : memref<32x768xf32, #tpu.memory_space<vmem>>) offsets(%dma_start3A_595 : memref<32xi32, #tpu.memory_space<vmem>>) semaphore(%arg10 : memref<!tpu.dma_semaphore, #tpu.memory_space<semaphore_mem>>)
    %dma_wait3A_599 = arith.constant 9 : i32
    %dma_wait3A_600 = arith.constant 0 : i32
    %dma_wait3A_601 = tpu.memref_slice %arg5[%dma_wait3A_599, %dma_wait3A_600] : memref<16x32xi32, #tpu.memory_space<vmem>> -> memref<1x32xi32, #tpu.memory_space<vmem>>
    %dma_wait3A_602 = tpu.memref_squeeze %dma_wait3A_601 : memref<1x32xi32, #tpu.memory_space<vmem>> -> memref<32xi32, #tpu.memory_space<vmem>>
    %dma_wait3A_603 = arith.constant 0 : i32
    %dma_wait3A_604 = arith.constant 0 : i32
    %dma_wait3A_605 = tpu.memref_slice %arg2[%dma_wait3A_603, %dma_wait3A_604] : memref<32768x768xf32, #tpu.memory_space<hbm>> -> memref<32768x768xf32, #tpu.memory_space<hbm>>
    tpu.wait_indirect_dma semaphore(%arg11 : memref<!tpu.dma_semaphore, #tpu.memory_space<semaphore_mem>>) src(%dma_wait3A_605 : memref<32768x768xf32, #tpu.memory_space<hbm>>) dst(%arg7 : memref<32x768xf32, #tpu.memory_space<vmem>>)
    %add3A_606 = arith.constant 288 : i32
    %add3A_607 = arith.addi %mul3A_2, %add3A_606 : i32
    %dma_start3A_608 = arith.constant 0 : i32
    %dma_start3A_609 = tpu.memref_slice %arg4[%add3A_607, %dma_start3A_608] : memref<16384x768xf32, #tpu.memory_space<hbm>> -> memref<32x768xf32, #tpu.memory_space<hbm>>
    %dma_start3A_610 = arith.constant 0 : i32
    %dma_start3A_611 = tpu.memref_slice %arg4[%add3A_607, %dma_start3A_610] : memref<16384x768xf32, #tpu.memory_space<hbm>> -> memref<32x768xf32, #tpu.memory_space<hbm>>
    tpu.enqueue_dma source(%arg7 : memref<32x768xf32, #tpu.memory_space<vmem>>) target(%dma_start3A_611 : memref<32x768xf32, #tpu.memory_space<hbm>>) target_semaphore(%arg15 : memref<!tpu.dma_semaphore, #tpu.memory_space<semaphore_mem>>)
    %dma_wait3A_612 = arith.constant 0 : i32
    %dma_wait3A_613 = tpu.memref_slice %arg4[%add3A_607, %dma_wait3A_612] : memref<16384x768xf32, #tpu.memory_space<hbm>> -> memref<32x768xf32, #tpu.memory_space<hbm>>
    %dma_wait3A_614 = arith.constant 0 : i32
    %dma_wait3A_615 = tpu.memref_slice %arg4[%add3A_607, %dma_wait3A_614] : memref<16384x768xf32, #tpu.memory_space<hbm>> -> memref<32x768xf32, #tpu.memory_space<hbm>>
    tpu.wait_dma2 semaphore(%arg15 : memref<!tpu.dma_semaphore, #tpu.memory_space<semaphore_mem>>) src(%arg7 : memref<32x768xf32, #tpu.memory_space<vmem>>) dst(%dma_wait3A_615 : memref<32x768xf32, #tpu.memory_space<hbm>>)
    %get3A_616 = arith.constant 13 : i32
    %get3A_617 = arith.index_cast %get3A_616 : i32 to index
    %get3A_618 = arith.constant 0 : index
    %get3A_619 = tpu.vector_load %arg5[%get3A_617, %get3A_618] {strides = array<i32>} : memref<16x32xi32, #tpu.memory_space<vmem>>, vector<1x16xi32>,
    %get3A_620 = vector.shape_cast %get3A_619 : vector<1x16xi32> to vector<16xi32>
    %add3A_621 = vector.broadcast %mul3A_20 : i32 to vector<16xi32>
    %add3A_622 = arith.addi %get3A_620, %add3A_621 : vector<16xi32>
    %swap3A_623 = arith.constant 13 : i32
    %swap3A_624 = arith.index_cast %swap3A_623 : i32 to index
    %swap3A_625 = arith.constant 0 : index
    %swap3A_626 = tpu.vector_load %arg5[%swap3A_624, %swap3A_625] {strides = array<i32>} : memref<16x32xi32, #tpu.memory_space<vmem>>, vector<1x16xi32>,
    %swap3A_627 = vector.shape_cast %swap3A_626 : vector<1x16xi32> to vector<16xi32>
    %swap3A_628 = vector.shape_cast %add3A_622 : vector<16xi32> to vector<1x16xi32>
    tpu.vector_store %arg5[%swap3A_624, %swap3A_625], %swap3A_628 {strides = array<i32>} : memref<16x32xi32, #tpu.memory_space<vmem>>, vector<1x16xi32>,
    %get3A_629 = arith.constant 13 : i32
    %get3A_630 = arith.index_cast %get3A_629 : i32 to index
    %get3A_631 = arith.constant 16 : index
    %get3A_632 = tpu.vector_load %arg5[%get3A_630, %get3A_631] {strides = array<i32>} : memref<16x32xi32, #tpu.memory_space<vmem>>, vector<1x16xi32>,
    %get3A_633 = vector.shape_cast %get3A_632 : vector<1x16xi32> to vector<16xi32>
    %add3A_634 = vector.broadcast %mul3A_20 : i32 to vector<16xi32>
    %add3A_635 = arith.addi %get3A_633, %add3A_634 : vector<16xi32>
    %swap3A_636 = arith.constant 13 : i32
    %swap3A_637 = arith.index_cast %swap3A_636 : i32 to index
    %swap3A_638 = arith.constant 16 : index
    %swap3A_639 = tpu.vector_load %arg5[%swap3A_637, %swap3A_638] {strides = array<i32>} : memref<16x32xi32, #tpu.memory_space<vmem>>, vector<1x16xi32>,
    %swap3A_640 = vector.shape_cast %swap3A_639 : vector<1x16xi32> to vector<16xi32>
    %swap3A_641 = vector.shape_cast %add3A_635 : vector<16xi32> to vector<1x16xi32>
    tpu.vector_store %arg5[%swap3A_637, %swap3A_638], %swap3A_641 {strides = array<i32>} : memref<16x32xi32, #tpu.memory_space<vmem>>, vector<1x16xi32>,
    %dma_start3A_642 = arith.constant 13 : i32
    %dma_start3A_643 = arith.constant 0 : i32
    %dma_start3A_644 = tpu.memref_slice %arg5[%dma_start3A_642, %dma_start3A_643] : memref<16x32xi32, #tpu.memory_space<vmem>> -> memref<1x32xi32, #tpu.memory_space<vmem>>
    %dma_start3A_645 = tpu.memref_squeeze %dma_start3A_644 : memref<1x32xi32, #tpu.memory_space<vmem>> -> memref<32xi32, #tpu.memory_space<vmem>>
    %dma_start3A_646 = arith.constant 0 : i32
    %dma_start3A_647 = arith.constant 0 : i32
    %dma_start3A_648 = tpu.memref_slice %arg2[%dma_start3A_646, %dma_start3A_647] : memref<32768x768xf32, #tpu.memory_space<hbm>> -> memref<32768x768xf32, #tpu.memory_space<hbm>>
    tpu.enqueue_indirect_dma source(%dma_start3A_648 : memref<32768x768xf32, #tpu.memory_space<hbm>>) target(%arg7 : memref<32x768xf32, #tpu.memory_space<vmem>>) offsets(%dma_start3A_645 : memref<32xi32, #tpu.memory_space<vmem>>) semaphore(%arg11 : memref<!tpu.dma_semaphore, #tpu.memory_space<semaphore_mem>>)
    %dma_wait3A_649 = arith.constant 10 : i32
    %dma_wait3A_650 = arith.constant 0 : i32
    %dma_wait3A_651 = tpu.memref_slice %arg5[%dma_wait3A_649, %dma_wait3A_650] : memref<16x32xi32, #tpu.memory_space<vmem>> -> memref<1x32xi32, #tpu.memory_space<vmem>>
    %dma_wait3A_652 = tpu.memref_squeeze %dma_wait3A_651 : memref<1x32xi32, #tpu.memory_space<vmem>> -> memref<32xi32, #tpu.memory_space<vmem>>
    %dma_wait3A_653 = arith.constant 0 : i32
    %dma_wait3A_654 = arith.constant 0 : i32
    %dma_wait3A_655 = tpu.memref_slice %arg2[%dma_wait3A_653, %dma_wait3A_654] : memref<32768x768xf32, #tpu.memory_space<hbm>> -> memref<32768x768xf32, #tpu.memory_space<hbm>>
    tpu.wait_indirect_dma semaphore(%arg12 : memref<!tpu.dma_semaphore, #tpu.memory_space<semaphore_mem>>) src(%dma_wait3A_655 : memref<32768x768xf32, #tpu.memory_space<hbm>>) dst(%arg8 : memref<32x768xf32, #tpu.memory_space<vmem>>)
    %add3A_656 = arith.constant 320 : i32
    %add3A_657 = arith.addi %mul3A_2, %add3A_656 : i32
    %dma_start3A_658 = arith.constant 0 : i32
    %dma_start3A_659 = tpu.memref_slice %arg4[%add3A_657, %dma_start3A_658] : memref<16384x768xf32, #tpu.memory_space<hbm>> -> memref<32x768xf32, #tpu.memory_space<hbm>>
    %dma_start3A_660 = arith.constant 0 : i32
    %dma_start3A_661 = tpu.memref_slice %arg4[%add3A_657, %dma_start3A_660] : memref<16384x768xf32, #tpu.memory_space<hbm>> -> memref<32x768xf32, #tpu.memory_space<hbm>>
    tpu.enqueue_dma source(%arg8 : memref<32x768xf32, #tpu.memory_space<vmem>>) target(%dma_start3A_661 : memref<32x768xf32, #tpu.memory_space<hbm>>) target_semaphore(%arg16 : memref<!tpu.dma_semaphore, #tpu.memory_space<semaphore_mem>>)
    %dma_wait3A_662 = arith.constant 0 : i32
    %dma_wait3A_663 = tpu.memref_slice %arg4[%add3A_657, %dma_wait3A_662] : memref<16384x768xf32, #tpu.memory_space<hbm>> -> memref<32x768xf32, #tpu.memory_space<hbm>>
    %dma_wait3A_664 = arith.constant 0 : i32
    %dma_wait3A_665 = tpu.memref_slice %arg4[%add3A_657, %dma_wait3A_664] : memref<16384x768xf32, #tpu.memory_space<hbm>> -> memref<32x768xf32, #tpu.memory_space<hbm>>
    tpu.wait_dma2 semaphore(%arg16 : memref<!tpu.dma_semaphore, #tpu.memory_space<semaphore_mem>>) src(%arg8 : memref<32x768xf32, #tpu.memory_space<vmem>>) dst(%dma_wait3A_665 : memref<32x768xf32, #tpu.memory_space<hbm>>)
    %get3A_666 = arith.constant 14 : i32
    %get3A_667 = arith.index_cast %get3A_666 : i32 to index
    %get3A_668 = arith.constant 0 : index
    %get3A_669 = tpu.vector_load %arg5[%get3A_667, %get3A_668] {strides = array<i32>} : memref<16x32xi32, #tpu.memory_space<vmem>>, vector<1x16xi32>,
    %get3A_670 = vector.shape_cast %get3A_669 : vector<1x16xi32> to vector<16xi32>
    %add3A_671 = vector.broadcast %mul3A_20 : i32 to vector<16xi32>
    %add3A_672 = arith.addi %get3A_670, %add3A_671 : vector<16xi32>
    %swap3A_673 = arith.constant 14 : i32
    %swap3A_674 = arith.index_cast %swap3A_673 : i32 to index
    %swap3A_675 = arith.constant 0 : index
    %swap3A_676 = tpu.vector_load %arg5[%swap3A_674, %swap3A_675] {strides = array<i32>} : memref<16x32xi32, #tpu.memory_space<vmem>>, vector<1x16xi32>,
    %swap3A_677 = vector.shape_cast %swap3A_676 : vector<1x16xi32> to vector<16xi32>
    %swap3A_678 = vector.shape_cast %add3A_672 : vector<16xi32> to vector<1x16xi32>
    tpu.vector_store %arg5[%swap3A_674, %swap3A_675], %swap3A_678 {strides = array<i32>} : memref<16x32xi32, #tpu.memory_space<vmem>>, vector<1x16xi32>,
    %get3A_679 = arith.constant 14 : i32
    %get3A_680 = arith.index_cast %get3A_679 : i32 to index
    %get3A_681 = arith.constant 16 : index
    %get3A_682 = tpu.vector_load %arg5[%get3A_680, %get3A_681] {strides = array<i32>} : memref<16x32xi32, #tpu.memory_space<vmem>>, vector<1x16xi32>,
    %get3A_683 = vector.shape_cast %get3A_682 : vector<1x16xi32> to vector<16xi32>
    %add3A_684 = vector.broadcast %mul3A_20 : i32 to vector<16xi32>
    %add3A_685 = arith.addi %get3A_683, %add3A_684 : vector<16xi32>
    %swap3A_686 = arith.constant 14 : i32
    %swap3A_687 = arith.index_cast %swap3A_686 : i32 to index
    %swap3A_688 = arith.constant 16 : index
    %swap3A_689 = tpu.vector_load %arg5[%swap3A_687, %swap3A_688] {strides = array<i32>} : memref<16x32xi32, #tpu.memory_space<vmem>>, vector<1x16xi32>,
    %swap3A_690 = vector.shape_cast %swap3A_689 : vector<1x16xi32> to vector<16xi32>
    %swap3A_691 = vector.shape_cast %add3A_685 : vector<16xi32> to vector<1x16xi32>
    tpu.vector_store %arg5[%swap3A_687, %swap3A_688], %swap3A_691 {strides = array<i32>} : memref<16x32xi32, #tpu.memory_space<vmem>>, vector<1x16xi32>,
    %dma_start3A_692 = arith.constant 14 : i32
    %dma_start3A_693 = arith.constant 0 : i32
    %dma_start3A_694 = tpu.memref_slice %arg5[%dma_start3A_692, %dma_start3A_693] : memref<16x32xi32, #tpu.memory_space<vmem>> -> memref<1x32xi32, #tpu.memory_space<vmem>>
    %dma_start3A_695 = tpu.memref_squeeze %dma_start3A_694 : memref<1x32xi32, #tpu.memory_space<vmem>> -> memref<32xi32, #tpu.memory_space<vmem>>
    %dma_start3A_696 = arith.constant 0 : i32
    %dma_start3A_697 = arith.constant 0 : i32
    %dma_start3A_698 = tpu.memref_slice %arg2[%dma_start3A_696, %dma_start3A_697] : memref<32768x768xf32, #tpu.memory_space<hbm>> -> memref<32768x768xf32, #tpu.memory_space<hbm>>
    tpu.enqueue_indirect_dma source(%dma_start3A_698 : memref<32768x768xf32, #tpu.memory_space<hbm>>) target(%arg8 : memref<32x768xf32, #tpu.memory_space<vmem>>) offsets(%dma_start3A_695 : memref<32xi32, #tpu.memory_space<vmem>>) semaphore(%arg12 : memref<!tpu.dma_semaphore, #tpu.memory_space<semaphore_mem>>)
    %dma_wait3A_699 = arith.constant 11 : i32
    %dma_wait3A_700 = arith.constant 0 : i32
    %dma_wait3A_701 = tpu.memref_slice %arg5[%dma_wait3A_699, %dma_wait3A_700] : memref<16x32xi32, #tpu.memory_space<vmem>> -> memref<1x32xi32, #tpu.memory_space<vmem>>
    %dma_wait3A_702 = tpu.memref_squeeze %dma_wait3A_701 : memref<1x32xi32, #tpu.memory_space<vmem>> -> memref<32xi32, #tpu.memory_space<vmem>>
    %dma_wait3A_703 = arith.constant 0 : i32
    %dma_wait3A_704 = arith.constant 0 : i32
    %dma_wait3A_705 = tpu.memref_slice %arg2[%dma_wait3A_703, %dma_wait3A_704] : memref<32768x768xf32, #tpu.memory_space<hbm>> -> memref<32768x768xf32, #tpu.memory_space<hbm>>
    tpu.wait_indirect_dma semaphore(%arg13 : memref<!tpu.dma_semaphore, #tpu.memory_space<semaphore_mem>>) src(%dma_wait3A_705 : memref<32768x768xf32, #tpu.memory_space<hbm>>) dst(%arg9 : memref<32x768xf32, #tpu.memory_space<vmem>>)
    %add3A_706 = arith.constant 352 : i32
    %add3A_707 = arith.addi %mul3A_2, %add3A_706 : i32
    %dma_start3A_708 = arith.constant 0 : i32
    %dma_start3A_709 = tpu.memref_slice %arg4[%add3A_707, %dma_start3A_708] : memref<16384x768xf32, #tpu.memory_space<hbm>> -> memref<32x768xf32, #tpu.memory_space<hbm>>
    %dma_start3A_710 = arith.constant 0 : i32
    %dma_start3A_711 = tpu.memref_slice %arg4[%add3A_707, %dma_start3A_710] : memref<16384x768xf32, #tpu.memory_space<hbm>> -> memref<32x768xf32, #tpu.memory_space<hbm>>
    tpu.enqueue_dma source(%arg9 : memref<32x768xf32, #tpu.memory_space<vmem>>) target(%dma_start3A_711 : memref<32x768xf32, #tpu.memory_space<hbm>>) target_semaphore(%arg17 : memref<!tpu.dma_semaphore, #tpu.memory_space<semaphore_mem>>)
    %dma_wait3A_712 = arith.constant 0 : i32
    %dma_wait3A_713 = tpu.memref_slice %arg4[%add3A_707, %dma_wait3A_712] : memref<16384x768xf32, #tpu.memory_space<hbm>> -> memref<32x768xf32, #tpu.memory_space<hbm>>
    %dma_wait3A_714 = arith.constant 0 : i32
    %dma_wait3A_715 = tpu.memref_slice %arg4[%add3A_707, %dma_wait3A_714] : memref<16384x768xf32, #tpu.memory_space<hbm>> -> memref<32x768xf32, #tpu.memory_space<hbm>>
    tpu.wait_dma2 semaphore(%arg17 : memref<!tpu.dma_semaphore, #tpu.memory_space<semaphore_mem>>) src(%arg9 : memref<32x768xf32, #tpu.memory_space<vmem>>) dst(%dma_wait3A_715 : memref<32x768xf32, #tpu.memory_space<hbm>>)
    %get3A_716 = arith.constant 15 : i32
    %get3A_717 = arith.index_cast %get3A_716 : i32 to index
    %get3A_718 = arith.constant 0 : index
    %get3A_719 = tpu.vector_load %arg5[%get3A_717, %get3A_718] {strides = array<i32>} : memref<16x32xi32, #tpu.memory_space<vmem>>, vector<1x16xi32>,
    %get3A_720 = vector.shape_cast %get3A_719 : vector<1x16xi32> to vector<16xi32>
    %add3A_721 = vector.broadcast %mul3A_20 : i32 to vector<16xi32>
    %add3A_722 = arith.addi %get3A_720, %add3A_721 : vector<16xi32>
    %swap3A_723 = arith.constant 15 : i32
    %swap3A_724 = arith.index_cast %swap3A_723 : i32 to index
    %swap3A_725 = arith.constant 0 : index
    %swap3A_726 = tpu.vector_load %arg5[%swap3A_724, %swap3A_725] {strides = array<i32>} : memref<16x32xi32, #tpu.memory_space<vmem>>, vector<1x16xi32>,
    %swap3A_727 = vector.shape_cast %swap3A_726 : vector<1x16xi32> to vector<16xi32>
    %swap3A_728 = vector.shape_cast %add3A_722 : vector<16xi32> to vector<1x16xi32>
    tpu.vector_store %arg5[%swap3A_724, %swap3A_725], %swap3A_728 {strides = array<i32>} : memref<16x32xi32, #tpu.memory_space<vmem>>, vector<1x16xi32>,
    %get3A_729 = arith.constant 15 : i32
    %get3A_730 = arith.index_cast %get3A_729 : i32 to index
    %get3A_731 = arith.constant 16 : index
    %get3A_732 = tpu.vector_load %arg5[%get3A_730, %get3A_731] {strides = array<i32>} : memref<16x32xi32, #tpu.memory_space<vmem>>, vector<1x16xi32>,
    %get3A_733 = vector.shape_cast %get3A_732 : vector<1x16xi32> to vector<16xi32>
    %add3A_734 = vector.broadcast %mul3A_20 : i32 to vector<16xi32>
    %add3A_735 = arith.addi %get3A_733, %add3A_734 : vector<16xi32>
    %swap3A_736 = arith.constant 15 : i32
    %swap3A_737 = arith.index_cast %swap3A_736 : i32 to index
    %swap3A_738 = arith.constant 16 : index
    %swap3A_739 = tpu.vector_load %arg5[%swap3A_737, %swap3A_738] {strides = array<i32>} : memref<16x32xi32, #tpu.memory_space<vmem>>, vector<1x16xi32>,
    %swap3A_740 = vector.shape_cast %swap3A_739 : vector<1x16xi32> to vector<16xi32>
    %swap3A_741 = vector.shape_cast %add3A_735 : vector<16xi32> to vector<1x16xi32>
    tpu.vector_store %arg5[%swap3A_737, %swap3A_738], %swap3A_741 {strides = array<i32>} : memref<16x32xi32, #tpu.memory_space<vmem>>, vector<1x16xi32>,
    %dma_start3A_742 = arith.constant 15 : i32
    %dma_start3A_743 = arith.constant 0 : i32
    %dma_start3A_744 = tpu.memref_slice %arg5[%dma_start3A_742, %dma_start3A_743] : memref<16x32xi32, #tpu.memory_space<vmem>> -> memref<1x32xi32, #tpu.memory_space<vmem>>
    %dma_start3A_745 = tpu.memref_squeeze %dma_start3A_744 : memref<1x32xi32, #tpu.memory_space<vmem>> -> memref<32xi32, #tpu.memory_space<vmem>>
    %dma_start3A_746 = arith.constant 0 : i32
    %dma_start3A_747 = arith.constant 0 : i32
    %dma_start3A_748 = tpu.memref_slice %arg2[%dma_start3A_746, %dma_start3A_747] : memref<32768x768xf32, #tpu.memory_space<hbm>> -> memref<32768x768xf32, #tpu.memory_space<hbm>>
    tpu.enqueue_indirect_dma source(%dma_start3A_748 : memref<32768x768xf32, #tpu.memory_space<hbm>>) target(%arg9 : memref<32x768xf32, #tpu.memory_space<vmem>>) offsets(%dma_start3A_745 : memref<32xi32, #tpu.memory_space<vmem>>) semaphore(%arg13 : memref<!tpu.dma_semaphore, #tpu.memory_space<semaphore_mem>>)
    %dma_wait3A_749 = arith.constant 12 : i32
    %dma_wait3A_750 = arith.constant 0 : i32
    %dma_wait3A_751 = tpu.memref_slice %arg5[%dma_wait3A_749, %dma_wait3A_750] : memref<16x32xi32, #tpu.memory_space<vmem>> -> memref<1x32xi32, #tpu.memory_space<vmem>>
    %dma_wait3A_752 = tpu.memref_squeeze %dma_wait3A_751 : memref<1x32xi32, #tpu.memory_space<vmem>> -> memref<32xi32, #tpu.memory_space<vmem>>
    %dma_wait3A_753 = arith.constant 0 : i32
    %dma_wait3A_754 = arith.constant 0 : i32
    %dma_wait3A_755 = tpu.memref_slice %arg2[%dma_wait3A_753, %dma_wait3A_754] : memref<32768x768xf32, #tpu.memory_space<hbm>> -> memref<32768x768xf32, #tpu.memory_space<hbm>>
    tpu.wait_indirect_dma semaphore(%arg10 : memref<!tpu.dma_semaphore, #tpu.memory_space<semaphore_mem>>) src(%dma_wait3A_755 : memref<32768x768xf32, #tpu.memory_space<hbm>>) dst(%arg6 : memref<32x768xf32, #tpu.memory_space<vmem>>)
    %add3A_756 = arith.constant 384 : i32
    %add3A_757 = arith.addi %mul3A_2, %add3A_756 : i32
    %dma_start3A_758 = arith.constant 0 : i32
    %dma_start3A_759 = tpu.memref_slice %arg4[%add3A_757, %dma_start3A_758] : memref<16384x768xf32, #tpu.memory_space<hbm>> -> memref<32x768xf32, #tpu.memory_space<hbm>>
    %dma_start3A_760 = arith.constant 0 : i32
    %dma_start3A_761 = tpu.memref_slice %arg4[%add3A_757, %dma_start3A_760] : memref<16384x768xf32, #tpu.memory_space<hbm>> -> memref<32x768xf32, #tpu.memory_space<hbm>>
    tpu.enqueue_dma source(%arg6 : memref<32x768xf32, #tpu.memory_space<vmem>>) target(%dma_start3A_761 : memref<32x768xf32, #tpu.memory_space<hbm>>) target_semaphore(%arg14 : memref<!tpu.dma_semaphore, #tpu.memory_space<semaphore_mem>>)
    %dma_wait3A_762 = arith.constant 13 : i32
    %dma_wait3A_763 = arith.constant 0 : i32
    %dma_wait3A_764 = tpu.memref_slice %arg5[%dma_wait3A_762, %dma_wait3A_763] : memref<16x32xi32, #tpu.memory_space<vmem>> -> memref<1x32xi32, #tpu.memory_space<vmem>>
    %dma_wait3A_765 = tpu.memref_squeeze %dma_wait3A_764 : memref<1x32xi32, #tpu.memory_space<vmem>> -> memref<32xi32, #tpu.memory_space<vmem>>
    %dma_wait3A_766 = arith.constant 0 : i32
    %dma_wait3A_767 = arith.constant 0 : i32
    %dma_wait3A_768 = tpu.memref_slice %arg2[%dma_wait3A_766, %dma_wait3A_767] : memref<32768x768xf32, #tpu.memory_space<hbm>> -> memref<32768x768xf32, #tpu.memory_space<hbm>>
    tpu.wait_indirect_dma semaphore(%arg11 : memref<!tpu.dma_semaphore, #tpu.memory_space<semaphore_mem>>) src(%dma_wait3A_768 : memref<32768x768xf32, #tpu.memory_space<hbm>>) dst(%arg7 : memref<32x768xf32, #tpu.memory_space<vmem>>)
    %add3A_769 = arith.constant 416 : i32
    %add3A_770 = arith.addi %mul3A_2, %add3A_769 : i32
    %dma_start3A_771 = arith.constant 0 : i32
    %dma_start3A_772 = tpu.memref_slice %arg4[%add3A_770, %dma_start3A_771] : memref<16384x768xf32, #tpu.memory_space<hbm>> -> memref<32x768xf32, #tpu.memory_space<hbm>>
    %dma_start3A_773 = arith.constant 0 : i32
    %dma_start3A_774 = tpu.memref_slice %arg4[%add3A_770, %dma_start3A_773] : memref<16384x768xf32, #tpu.memory_space<hbm>> -> memref<32x768xf32, #tpu.memory_space<hbm>>
    tpu.enqueue_dma source(%arg7 : memref<32x768xf32, #tpu.memory_space<vmem>>) target(%dma_start3A_774 : memref<32x768xf32, #tpu.memory_space<hbm>>) target_semaphore(%arg15 : memref<!tpu.dma_semaphore, #tpu.memory_space<semaphore_mem>>)
    %dma_wait3A_775 = arith.constant 14 : i32
    %dma_wait3A_776 = arith.constant 0 : i32
    %dma_wait3A_777 = tpu.memref_slice %arg5[%dma_wait3A_775, %dma_wait3A_776] : memref<16x32xi32, #tpu.memory_space<vmem>> -> memref<1x32xi32, #tpu.memory_space<vmem>>
    %dma_wait3A_778 = tpu.memref_squeeze %dma_wait3A_777 : memref<1x32xi32, #tpu.memory_space<vmem>> -> memref<32xi32, #tpu.memory_space<vmem>>
    %dma_wait3A_779 = arith.constant 0 : i32
    %dma_wait3A_780 = arith.constant 0 : i32
    %dma_wait3A_781 = tpu.memref_slice %arg2[%dma_wait3A_779, %dma_wait3A_780] : memref<32768x768xf32, #tpu.memory_space<hbm>> -> memref<32768x768xf32, #tpu.memory_space<hbm>>
    tpu.wait_indirect_dma semaphore(%arg12 : memref<!tpu.dma_semaphore, #tpu.memory_space<semaphore_mem>>) src(%dma_wait3A_781 : memref<32768x768xf32, #tpu.memory_space<hbm>>) dst(%arg8 : memref<32x768xf32, #tpu.memory_space<vmem>>)
    %add3A_782 = arith.constant 448 : i32
    %add3A_783 = arith.addi %mul3A_2, %add3A_782 : i32
    %dma_start3A_784 = arith.constant 0 : i32
    %dma_start3A_785 = tpu.memref_slice %arg4[%add3A_783, %dma_start3A_784] : memref<16384x768xf32, #tpu.memory_space<hbm>> -> memref<32x768xf32, #tpu.memory_space<hbm>>
    %dma_start3A_786 = arith.constant 0 : i32
    %dma_start3A_787 = tpu.memref_slice %arg4[%add3A_783, %dma_start3A_786] : memref<16384x768xf32, #tpu.memory_space<hbm>> -> memref<32x768xf32, #tpu.memory_space<hbm>>
    tpu.enqueue_dma source(%arg8 : memref<32x768xf32, #tpu.memory_space<vmem>>) target(%dma_start3A_787 : memref<32x768xf32, #tpu.memory_space<hbm>>) target_semaphore(%arg16 : memref<!tpu.dma_semaphore, #tpu.memory_space<semaphore_mem>>)
    %dma_wait3A_788 = arith.constant 15 : i32
    %dma_wait3A_789 = arith.constant 0 : i32
    %dma_wait3A_790 = tpu.memref_slice %arg5[%dma_wait3A_788, %dma_wait3A_789] : memref<16x32xi32, #tpu.memory_space<vmem>> -> memref<1x32xi32, #tpu.memory_space<vmem>>
    %dma_wait3A_791 = tpu.memref_squeeze %dma_wait3A_790 : memref<1x32xi32, #tpu.memory_space<vmem>> -> memref<32xi32, #tpu.memory_space<vmem>>
    %dma_wait3A_792 = arith.constant 0 : i32
    %dma_wait3A_793 = arith.constant 0 : i32
    %dma_wait3A_794 = tpu.memref_slice %arg2[%dma_wait3A_792, %dma_wait3A_793] : memref<32768x768xf32, #tpu.memory_space<hbm>> -> memref<32768x768xf32, #tpu.memory_space<hbm>>
    tpu.wait_indirect_dma semaphore(%arg13 : memref<!tpu.dma_semaphore, #tpu.memory_space<semaphore_mem>>) src(%dma_wait3A_794 : memref<32768x768xf32, #tpu.memory_space<hbm>>) dst(%arg9 : memref<32x768xf32, #tpu.memory_space<vmem>>)
    %add3A_795 = arith.constant 480 : i32
    %add3A_796 = arith.addi %mul3A_2, %add3A_795 : i32
    %dma_start3A_797 = arith.constant 0 : i32
    %dma_start3A_798 = tpu.memref_slice %arg4[%add3A_796, %dma_start3A_797] : memref<16384x768xf32, #tpu.memory_space<hbm>> -> memref<32x768xf32, #tpu.memory_space<hbm>>
    %dma_start3A_799 = arith.constant 0 : i32
    %dma_start3A_800 = tpu.memref_slice %arg4[%add3A_796, %dma_start3A_799] : memref<16384x768xf32, #tpu.memory_space<hbm>> -> memref<32x768xf32, #tpu.memory_space<hbm>>
    tpu.enqueue_dma source(%arg9 : memref<32x768xf32, #tpu.memory_space<vmem>>) target(%dma_start3A_800 : memref<32x768xf32, #tpu.memory_space<hbm>>) target_semaphore(%arg17 : memref<!tpu.dma_semaphore, #tpu.memory_space<semaphore_mem>>)
    %dma_wait3A_801 = arith.constant 0 : i32
    %dma_wait3A_802 = tpu.memref_slice %arg4[%add3A_757, %dma_wait3A_801] : memref<16384x768xf32, #tpu.memory_space<hbm>> -> memref<32x768xf32, #tpu.memory_space<hbm>>
    %dma_wait3A_803 = arith.constant 0 : i32
    %dma_wait3A_804 = tpu.memref_slice %arg4[%add3A_757, %dma_wait3A_803] : memref<16384x768xf32, #tpu.memory_space<hbm>> -> memref<32x768xf32, #tpu.memory_space<hbm>>
    tpu.wait_dma2 semaphore(%arg14 : memref<!tpu.dma_semaphore, #tpu.memory_space<semaphore_mem>>) src(%arg6 : memref<32x768xf32, #tpu.memory_space<vmem>>) dst(%dma_wait3A_804 : memref<32x768xf32, #tpu.memory_space<hbm>>)
    %dma_wait3A_805 = arith.constant 0 : i32
    %dma_wait3A_806 = tpu.memref_slice %arg4[%add3A_770, %dma_wait3A_805] : memref<16384x768xf32, #tpu.memory_space<hbm>> -> memref<32x768xf32, #tpu.memory_space<hbm>>
    %dma_wait3A_807 = arith.constant 0 : i32
    %dma_wait3A_808 = tpu.memref_slice %arg4[%add3A_770, %dma_wait3A_807] : memref<16384x768xf32, #tpu.memory_space<hbm>> -> memref<32x768xf32, #tpu.memory_space<hbm>>
    tpu.wait_dma2 semaphore(%arg15 : memref<!tpu.dma_semaphore, #tpu.memory_space<semaphore_mem>>) src(%arg7 : memref<32x768xf32, #tpu.memory_space<vmem>>) dst(%dma_wait3A_808 : memref<32x768xf32, #tpu.memory_space<hbm>>)
    %dma_wait3A_809 = arith.constant 0 : i32
    %dma_wait3A_810 = tpu.memref_slice %arg4[%add3A_783, %dma_wait3A_809] : memref<16384x768xf32, #tpu.memory_space<hbm>> -> memref<32x768xf32, #tpu.memory_space<hbm>>
    %dma_wait3A_811 = arith.constant 0 : i32
    %dma_wait3A_812 = tpu.memref_slice %arg4[%add3A_783, %dma_wait3A_811] : memref<16384x768xf32, #tpu.memory_space<hbm>> -> memref<32x768xf32, #tpu.memory_space<hbm>>
    tpu.wait_dma2 semaphore(%arg16 : memref<!tpu.dma_semaphore, #tpu.memory_space<semaphore_mem>>) src(%arg8 : memref<32x768xf32, #tpu.memory_space<vmem>>) dst(%dma_wait3A_812 : memref<32x768xf32, #tpu.memory_space<hbm>>)
    %dma_wait3A_813 = arith.constant 0 : i32
    %dma_wait3A_814 = tpu.memref_slice %arg4[%add3A_796, %dma_wait3A_813] : memref<16384x768xf32, #tpu.memory_space<hbm>> -> memref<32x768xf32, #tpu.memory_space<hbm>>
    %dma_wait3A_815 = arith.constant 0 : i32
    %dma_wait3A_816 = tpu.memref_slice %arg4[%add3A_796, %dma_wait3A_815] : memref<16384x768xf32, #tpu.memory_space<hbm>> -> memref<32x768xf32, #tpu.memory_space<hbm>>
    tpu.wait_dma2 semaphore(%arg17 : memref<!tpu.dma_semaphore, #tpu.memory_space<semaphore_mem>>) src(%arg9 : memref<32x768xf32, #tpu.memory_space<vmem>>) dst(%dma_wait3A_816 : memref<32x768xf32, #tpu.memory_space<hbm>>)
    return
  }
}

</mosaic_0001>

<sc_bundles>
// kernel: kernel.3.cloned.1.call-start
scs
__scs_entry_jumppad:
0x0: {  	(pc) =	sbr.rel $0x88, $3  }
0x1: {  	(tag) =	ssettag $0x0;
	lr =	simm.s32 $0x1  }
0x2: {  	[smem:$0x3F9F] =	sst lr;
	_ =	strace $0xD0000000  }
0x3: {  	_ = 	snop  }
0x4: {  	_ = 	snop  }
0x5: {  	_ = 	snop  }
0x6: {  	_ = 	snop  }
0x7: {  	_ = 	snop  }
__scs_overlays_trampoline_lowered:
0x8: {  	[smem:$0x3FAE] =	sst s0  }
0x9: {  	[smem:$0x3FAF] =	sst s1  }
0xa: {  	[smem:$0x3FB0] =	sst s2  }
0xb: {  	[smem:$0x3FB1] =	sst s3  }
0xc: {  	[smem:$0x3FB2] =	sst s4  }
0xd: {  	[smem:$0x3FB3] =	sst s5  }
0xe: {  	[smem:$0x3FB4] =	sst s6  }
0xf: {  	[smem:$0x3FB5] =	sst s7  }
0x10: {  	[smem:$0x3FB6] =	sst s8  }
0x11: {  	[smem:$0x3FB7] =	sst s9;
	s0 =	simm.s32 @!p0 $0x0  }
0x12: {  	s1 =	sld [smem:$0x3F9D];
	s0 =	simm.s32 @p0 $0x1  }
0x13: {  	[smem:$0x3FB8] =	sst s0;
	s0 =	simm.s32 @!p1 $0x0  }
0x14: {  	s2 =	sld [smem:$0x3F9C];
	s0 =	simm.s32 @p1 $0x1  }
0x15: {  	[smem:$0x3FB9] =	sst s0;
	s0 =	simm.s32 @!p2 $0x0  }
0x16: {  	s3 =	sld [smem:$0x3FDB];
	s0 =	simm.s32 @p2 $0x1  }
0x17: {  	s4 =	simm.s32 $0x1BF5;
	[smem:$0x3FBB] =	sst s0  }
0x18: {  	s0 =	sld [smem:$0x3F9E];
	_ =	swait.ge [sflag:s4], $0x0  }
0x19: {  	s7 =	sld [smem:$0x3F9F]  }
0x1a: {  	s8 =	sadd.s32 $0xFFFFE003, lr  }
0x1b: {  	s9 =	sadd.s32 $0xFFFFFEF7, lr;
	s5 =	simm.s32 $0xFFFFFFFF;
	p2 =	slt.u32 s8, $0xFFFFF086  }
0x1c: {  	p1 =	slt.u32 s9, $0xF7A;
	s5 =	simm.s32 @!p2 $0x0  }
0x1d: {  	s5 =	simm.s32 @p1 $0x1;
	p0 =	seq.s32 s7, s2  }
0x1e: {  	s7 =	smul.u32 @!p0 $0xF7A, s2;
	p2 =	seq.s32 @!p0 s5, $0x0  }
0x1f: {  	s9 =	smul.u32 $0xF7A, s1;
	s8 =	simm.s32 @!p0 $0x1BF5;
	p2 =	por !p2, p0  }
0x20: {  	[sflag:s8] =	ssyncset.s32 @!p0 $0xFFFFF086;
	s6 =	sadd.s32 @!p0 s3, s7;
	s7 =	simm.s32 @!p0 $0x108  }
0x21: {  	s3 =	sadd.s32 s3, s9;
	s6 =	sadd.s32 @!p0 $0x88, s6;
	s7 =	simm.s32 @p2 $0x1082  }
0x22: {  	[simem:s7], [sflag:s8] =	dma.local @!p0 [hbm:s6], $0xF7A  }
0x23: {  	s9 =	sor.u32 $0xD0000000, s2;
	s6 =	simm.s32 $0x108;
	_ =	swait.ge @!p0 [sflag:s8], $0x0  }
0x24: {  	s3 =	sadd.s32 $0x88, s3;
	s6 =	simm.s32 @!p1 $0x1082;
	[sflag:s4] =	ssyncset.s32 $0xFFFFF086  }
0x25: {  	[simem:s6], [sflag:s4] =	dma.local [hbm:s3], $0xF7A  }
0x26: {  	[smem:$0x3F9F] =	sst s1;
	(tag) =	ssettag s2;
	_ =	strace s9  }
0x27: {  	s1 =	sld [smem:$0x3FAF]  }
0x28: {  	s2 =	sld [smem:$0x3FB0]  }
0x29: {  	s4 =	sld [smem:$0x3FB2]  }
0x2a: {  	p0 =	seq.s32 s5, $0x0;
	s5 =	sld [smem:$0x3FB3]  }
0x2b: {  	s6 =	sld [smem:$0x3FB4]  }
0x2c: {  	s7 =	sld [smem:$0x3FB5]  }
0x2d: {  	s3 =	simm.s32 $0x108;
	s8 =	sld [smem:$0x3FB6]  }
0x2e: {  	s3 =	simm.s32 @!p0 $0x1082;
	s9 =	sld [smem:$0x3FB7]  }
0x2f: {  	lr =	sadd.s32 s0, s3;
	s0 =	sld [smem:$0x3FAE]  }
0x30: {  	s3 =	sld [smem:$0x3FB1]  }
0x31: {  	[smem:$0x3FBA] =	sst s10  }
0x32: {  	s10 =	sld [smem:$0x3FB8];
	_ =	sdelay $0x3  }
0x33: {  	p0 =	seq.s32 s10, $0x1;
	s10 =	sld [smem:$0x3FBA];
	_ =	sdelay $0x3  }
0x34: {  	[smem:$0x3FBA] =	sst s10  }
0x35: {  	s10 =	sld [smem:$0x3FB9];
	_ =	sdelay $0x3  }
0x36: {  	p1 =	seq.s32 s10, $0x1;
	s10 =	sld [smem:$0x3FBA];
	_ =	sdelay $0x3  }
0x37: {  	[smem:$0x3FBA] =	sst s10  }
0x38: {  	s10 =	sld [smem:$0x3FBB]  }
0x39: {  	_ = 	snop;
	(pc) =	sbr.ind lr, $3  }
0x3a: {  	_ = 	snop  }
0x3b: {  	_ = 	snop  }
0x3c: {  	p2 =	seq.s32 s10, $0x1;
	s10 =	sld [smem:$0x3FBA]  }
0x3d: {  	_ =	shalt  }
0x3e: {  	_ =	shalt  }
0x3f: {  	_ =	shalt  }
0x40: {  	_ =	shalt  }
0x41: {  	_ =	shalt  }
0x42: {  	_ =	shalt  }
0x43: {  	_ =	shalt  }
0x44: {  	_ =	shalt  }
0x45: {  	_ =	shalt  }
0x46: {  	_ =	shalt  }
0x47: {  	_ =	shalt  }
0x48: {  	_ =	shalt  }
0x49: {  	_ =	shalt  }
0x4a: {  	_ =	shalt  }
0x4b: {  	_ =	shalt  }
0x4c: {  	_ =	shalt  }
0x4d: {  	_ =	shalt  }
0x4e: {  	_ =	shalt  }
0x4f: {  	_ =	shalt  }
0x50: {  	_ =	shalt  }
0x51: {  	_ =	shalt  }
0x52: {  	_ =	shalt  }
0x53: {  	_ =	shalt  }
0x54: {  	_ =	shalt  }
0x55: {  	_ =	shalt  }
0x56: {  	_ =	shalt  }
0x57: {  	_ =	shalt  }
0x58: {  	_ =	shalt  }
0x59: {  	_ =	shalt  }
0x5a: {  	_ =	shalt  }
0x5b: {  	_ =	shalt  }
0x5c: {  	_ =	shalt  }
0x5d: {  	_ =	shalt  }
0x5e: {  	_ =	shalt  }
0x5f: {  	_ =	shalt  }
0x60: {  	_ =	shalt  }
0x61: {  	_ =	shalt  }
0x62: {  	_ =	shalt  }
0x63: {  	_ =	shalt  }
0x64: {  	_ =	shalt  }
0x65: {  	_ =	shalt  }
0x66: {  	_ =	shalt  }
0x67: {  	_ =	shalt  }
0x68: {  	_ =	shalt  }
0x69: {  	_ =	shalt  }
0x6a: {  	_ =	shalt  }
0x6b: {  	_ =	shalt  }
0x6c: {  	_ =	shalt  }
0x6d: {  	_ =	shalt  }
0x6e: {  	_ =	shalt  }
0x6f: {  	_ =	shalt  }
0x70: {  	_ =	shalt  }
0x71: {  	_ =	shalt  }
0x72: {  	_ =	shalt  }
0x73: {  	_ =	shalt  }
0x74: {  	_ =	shalt  }
0x75: {  	_ =	shalt  }
0x76: {  	_ =	shalt  }
0x77: {  	_ =	shalt  }
0x78: {  	_ =	shalt  }
0x79: {  	_ =	shalt  }
0x7a: {  	_ =	shalt  }
0x7b: {  	_ =	shalt  }
0x7c: {  	_ =	shalt  }
0x7d: {  	_ =	shalt  }
0x7e: {  	_ =	shalt  }
0x7f: {  	_ =	shalt  }
0x80: {  	_ =	shalt  }
0x81: {  	_ =	shalt  }
0x82: {  	_ =	shalt  }
0x83: {  	_ =	shalt  }
0x84: {  	_ =	shalt  }
0x85: {  	_ =	shalt  }
0x86: {  	_ =	shalt  }
0x87: {  	_ =	shalt  }
.Lfunc_end0:
.L_simem_size_0:
called_computation_lowered:
.L_overlay_start_0:
0x88: {  	s2 =	sld [smem:$0x3FD9]  }
0x89: {  	s3 =	sld [smem:$0x3FFE];
	_ =	sdelay $0x1  }
0x8a: {  	s1 =	srdreg.scid  }
0x8b: {  	s0 =	sand.u32 $0x1, s1  }
0x8c: {  	s17 =	sshll.u32 s0, $0xA;
	s2 =	sadd.s32 s3, s2  }
0x8d: {  	s2 =	sadd.s32 s2, s17  }
0x8e: {  	[smem:$0x3FC6] =	sst s2  }
0x8f: {  	_ = 	snop  }
0x90: {  	s2 =	sld [smem:$0x3FC9]  }
0x91: {  	s18 =	sld [smem:$0x3FD0];
	(tm) =	ssettm $0x1  }
0x92: {  	s4 =	sld [smem:$0x3FFB];
	_ =	sdelay $0x3  }
0x93: {  	_ =	strace s4  }
0x94: {  	s4 =	sld [smem:$0x3FFC];
	_ =	sdelay $0x3  }
0x95: {  	_ =	strace s4  }
0x96: {  	s4 =	sld [smem:$0x3FFD];
	_ =	sdelay $0x3  }
0x97: {  	_ =	strace s4  }
0x98: {  	_ =	strace $0x8FFFFFFF  }
0x99: {  	s19 =	sld [smem:$0x3FDB];
	_ =	sdelay $0x1  }
0x9a: {  	s5 =	simm.s32 $_scs_section_size  }
0x9b: {  	s6 =	simm.s32 $_size__tile_overlayer_lowered;
	s7 =	simm.s32 $_tile_overlayer_lowered  }
0x9c: {  	s22 =	simm.s32 $0x1BFF;
	s21 =	sshll.u32 s7, $0x1;
	s4 =	sadd.s32 s5, s19  }
0x9d: {  	s8 =	simm.s32 $0x0;
	s20 =	sshll.u32 s6, $0x1;
	s6 =	sadd.s32 s21, s4  }
0x9e: {  	[timem:s8], [sflag:s22] =	dma.local [hbm:s6], s20  }
0x9f: {  	_ =	swait.ge [sflag:s22], s20  }
0xa0: {  	s5 =	ssub.s32 $0x0, s20;
	[sflag:s22] =	ssyncset.done $0x0  }
0xa1: {  	[sflag:s22] =	ssyncadd.s32 s5;
	_ =	sdelay $0x1  }
0xa2: {  	s23 =	simm.s32 $0x1B8B  }
0xa3: {  	_ =	swait.ge [sflag:s23], $0x1  }
0xa4: {  	[sflag:s23] =	ssyncset.done $0x0  }
0xa5: {  	s25 =	simm.s32 $0x1B8E;
	s24 =	sld [smem:$0x3FFE];
	[sflag:s23] =	ssyncadd.s32 $0xFFFFFFFF  }
0xa6: {  	s26 =	simm.s32 $execute0_lowered;
	[smem:$0x3FD2] =	sst s25  }
0xa7: {  	s6 =	sshll.u32 s26, $0x1;
	_ =	strace $0x80000046;
	[dreg:$0x1] =	wrdreg $0xFFFFFFFF  }
0xa8: {  	s28 =	simm.s32 $_size_execute0_lowered;
	s4 =	sadd.s32 s4, s6;
	[dreg:$0x0] =	wrdreg $0x0  }
0xa9: {  	s6 =	sshll.u32 s28, $0x1;
	[dreg:$0x2] =	wrdreg s4  }
0xaa: {  	[dreg:$0x3] =	wrdreg s6  }
0xab: {  	[dreg:$0x4] =	wrdreg $0xC0  }
0xac: {  	_ =	task [dreg:s8], $0x5FFFF  }
0xad: {  	[dreg:$0x1] =	wrdreg $0xFFFFFFFF  }
0xae: {  	[dreg:$0x0] =	wrdreg $0x60  }
0xaf: {  	[dreg:$0x2] =	wrdreg s2  }
0xb0: {  	[dreg:$0x3] =	wrdreg s24  }
0xb1: {  	[dreg:$0x4] =	wrdreg s18  }
0xb2: {  	[dreg:$0x5] =	wrdreg $0x9  }
0xb3: {  	_ =	task.clear_ibuf [dreg:s8], $0x6FFFF;
	_ =	strace $0x90000046  }
0xb4: {  	s29 =	simm.s32 $0x9;
	_ =	strace $0x80000048  }
0xb5: {  	_ =	swait.ge [sflag:s29], $0x1  }
0xb6: {  	[sflag:s29] =	ssyncadd.s32 $0xFFFFFFFF  }
0xb7: {  	_ =	strace $0x90000048  }
0xb8: {  	_ =	sfence  }
0xb9: {  	s30 =	sld [smem:$0x0];
	_ =	sdelay $0x2  }
0xba: {  	s31 =	sshll.u32 s1, $0xD;
	s1 =	sshrl.u32 s1, $0x2  }
0xbb: {  	s3 =	sand.u32 $0x4000, s31;
	s1 =	sadd.s32 s1, s30  }
0xbc: {  	s0 =	sor.u32 s3, s0;
	s1 =	sshll.u32 s1, $0x11  }
0xbd: {  	s0 =	sor.u32 s1, s0  }
0xbe: {  	s0 =	sadd.s32 $0x8F2B, s0  }
0xbf: {  	[sflag:s0] =	ssyncadd.remote.s32 $0x1  }
0xc0: {  	_ =	sfence.sel $0xFFFF  }
0xc1: {  	[dreg:$0x0] =	wrdreg $0xFFFFFFFF;
	(pc) =	sbr.abs _section_cstart, $3  }
0xc2: {  	[dreg:$0x1] =	wrdreg $0xFFFFFFFF  }
0xc3: {  	_ =	task.clear_ibuf [dreg:s8], $0x2FFFF;
	_ =	strace $0x9FFFFFFF  }
0xc4: {  	(tm) =	ssettm $0x7FFFFFFF  }
0xc5: {  	_ =	shalt  }
tec
execute0_lowered:
.L_overlay_start_1:
0x0: {  	(tag) =	ssettag $0x1  }
0x1: {  	s2 =	srdreg.scid;
	s8 =	stileid.u32  }
0x2: {  	s1 =	rddreg [dreg:$0x0];
	s2 =	sand.u32 $0x1, s2;
	s3 =	sshll.u32 s8, $0x1  }
0x3: {  	s0 =	rddreg [dreg:$0x1];
	s5 =	sor.u32 s2, s3  }
0x4: {  	s4 =	rddreg [dreg:$0x2];
	s10 =	simm.s32 $0x5;
	s6 =	sshll.u32 s5, $0x8  }
0x5: {  	s3 =	simm.s32 $0x0;
	s7 =	smul.u32 $0xC000, s5;
	s0 =	sadd.s32 s6, s0  }
0x6: {  	s12 =	simm.s32 $0x6;
	[smem:$0x7FF] =	sst s3;
	s0 =	sadd.s32 $0x400, s0  }
0x7: {  	_ =	strace $0x80000047;
	s13 =	sadd.s32 s4, s7;
	[dreg:$0x4] =	wrdreg s0  }
0x8: {  	s28 =	sshll.u32 s8, $0xB;
	s14 =	sadd.s32 $0xC00, s13;
	[dreg:$0x14] =	wrdreg s13  }
0x9: {  	s5 =	smul.u32 $0x60000, s5;
	s15 =	sadd.s32 $0x1800, s13;
	[dreg:$0x5] =	wrdreg s14  }
0xa: {  	s8 =	simm.s32 $0x1;
	s16 =	sadd.s32 $0x2400, s13;
	[dreg:$0x6] =	wrdreg s15  }
0xb: {  	s5 =	sshrl.u32 s5, $0x3;
	s17 =	sadd.s32 $0x3000, s13;
	[dreg:$0x7] =	wrdreg s16  }
0xc: {  	s18 =	sadd.s32 $0x3C00, s13;
	s4 =	sadd.s32 s4, s5;
	[dreg:$0x8] =	wrdreg s17  }
0xd: {  	s2 =	ssub.s32 $0x2, s2;
	[dreg:$0x9] =	wrdreg s18;
	s19 =	sadd.s32 $0x4800, s4  }
0xe: {  	s11 =	sand.u32 $0x6000, s28;
	s20 =	sadd.s32 $0x5400, s4;
	[dreg:$0xa] =	wrdreg s19  }
0xf: {  	s24 =	sshrl.u32 s2, $0x1;
	s21 =	sadd.s32 $0x6000, s4;
	[dreg:$0xb] =	wrdreg s20  }
0x10: {  	v0 =	vmov s11;
	s11 =	simm.s32 $0x2;
	s22 =	sadd.s32 $0x6C00, s4;
	[dreg:$0xc] =	wrdreg s21  }
0x11: {  	s2 =	ssub.s32 s2, s24;
	s23 =	sadd.s32 $0x7800, s4;
	[dreg:$0xd] =	wrdreg s22  }
0x12: {  	s6 =	sadd.s32 $0x200, s1;
	s25 =	sadd.s32 $0x8400, s4;
	[dreg:$0xe] =	wrdreg s23  }
0x13: {  	s7 =	smax.u32 s2, $0x1;
	s26 =	sadd.s32 $0x9000, s4;
	[dreg:$0xf] =	wrdreg s25  }
0x14: {  	s5 =	sadd.s32 $0x100, s1;
	s29 =	sadd.s32 $0x9C00, s4;
	[dreg:$0x10] =	wrdreg s26  }
0x15: {  	v3 =	vlaneseq.u32;
	s13 =	simm.s32 $0x3;
	s30 =	sadd.s32 $0xA800, s4;
	[dreg:$0x11] =	wrdreg s29  }
0x16: {  	vm0 =	vmmov $0xffff;
	v2 =	vshrl.u32 v3, $0x3;
	s31 =	sadd.s32 $0xB400, s4;
	s14 =	simm.s32 $0x7;
	[dreg:$0x12] =	wrdreg s30  }
0x17: {  	v1 =	vand.u32 $0x7, v3;
	v3 =	vor.u32 $0x8, v3;
	v2 =	vmul.u32 $0x8, v2;
	s15 =	simm.s32 $0x4;
	s16 =	simm.s32 $0x8;
	[dreg:$0x13] =	wrdreg s31  }
.LBB2_1:
0x18: {  	s17 =	rddreg [dreg:$0x4];
	s30 =	simm.s32 $0x9  }
0x19: {  	[tilespmem:s3], [sflag:$0x9] =	stream.linear.gather [hbm4b:s17+s3], $0x800, $0x38;
	[tilespmem:$0x18800] =	vst v63  }
0x1a: {  	_ =	swait.ge [sflag:s30], $0x800  }
0x1b: {  	[sflag:s30] =	ssyncset.done $0x0  }
0x1c: {  	[sflag:s30] =	ssyncadd.s32 $0xFFFFF800  }
0x1d: {  	v4 =	vld [tilespmem:$0x0];
	_ =	sdelay $0x4  }
0x1e: {  	v5 =	vadd.s32 v0, v4  }
0x1f: {  	v6 =	vshrl.u32 v5, $0x3  }
0x20: {  	v6 =	vmul.u32 $0x30, v6  }
0x21: {  	v4 =	vand.u32 $0x7, v4  }
0x22: {  	v4 =	vor.u32 v4, v6  }
0x23: {  	v18 =	vld [tilespmem:$0x10];
	v7 =	vperm.xlane v4, v1;
	_ =	sdelay $0x1  }
0x24: {  	v7 =	vadd.s32 v2, v7;
	_ =	sdelay $0x2  }
0x25: {  	[tilespmem:$0x0] =	vst v5;
	v5 =	vadd.s32 v0, v18  }
0x26: {  	s0 =	simm.s32 $0x800;
	[tilespmem:$0x10] =	vst v5;
	v4 =	vperm.xlane v4, v3  }
0x27: {  	[tilespmem:s0], [sflag:$0x1] =	stream.indirect_vreg.gather [hbm4b:s1+s3], $0x80, v7, vm0, $0xb8;
	[tilespmem:$0x18800] =	vst v63  }
0x28: {  	s31 =	simm.s32 $0x1000;
	v4 =	vadd.s32 v2, v4  }
0x29: {  	[tilespmem:s31], [sflag:$0x1] =	stream.indirect_vreg.gather [hbm4b:s5+s3], $0x80, v7, vm0, $0xb8;
	[tilespmem:$0x18800] =	vst v63  }
0x2a: {  	s2 =	simm.s32 $0x1800  }
0x2b: {  	[tilespmem:s2], [sflag:$0x1] =	stream.indirect_vreg.gather [hbm4b:s6+s3], $0x80, v7, vm0, $0xb8;
	[tilespmem:$0x18800] =	vst v63  }
0x2c: {  	s4 =	simm.s32 $0x2000  }
0x2d: {  	[tilespmem:s4], [sflag:$0x1] =	stream.indirect_vreg.gather [hbm4b:s1+s3], $0x80, v4, vm0, $0xb8;
	[tilespmem:$0x18800] =	vst v63  }
0x2e: {  	s9 =	simm.s32 $0x2800  }
0x2f: {  	[tilespmem:s9], [sflag:$0x1] =	stream.indirect_vreg.gather [hbm4b:s5+s3], $0x80, v4, vm0, $0xb8;
	[tilespmem:$0x18800] =	vst v63  }
0x30: {  	s17 =	simm.s32 $0x3000  }
0x31: {  	[tilespmem:s17], [sflag:$0x1] =	stream.indirect_vreg.gather [hbm4b:s6+s3], $0x80, v4, vm0, $0xb8;
	[tilespmem:$0x18800] =	vst v63  }
0x32: {  	v4 =	vld [tilespmem:$0x10];
	_ =	sdelay $0x4  }
0x33: {  	v5 =	vshrl.u32 v4, $0x3  }
0x34: {  	v5 =	vmul.u32 $0x30, v5  }
0x35: {  	v4 =	vand.u32 $0x7, v4  }
0x36: {  	v4 =	vor.u32 v4, v5  }
0x37: {  	v5 =	vperm.xlane v4, v1;
	_ =	sdelay $0x1  }
0x38: {  	v5 =	vadd.s32 v2, v5;
	_ =	sdelay $0x3  }
0x39: {  	s18 =	simm.s32 $0x3800;
	v4 =	vperm.xlane v4, v3  }
0x3a: {  	[tilespmem:s18], [sflag:$0x1] =	stream.indirect_vreg.gather [hbm4b:s1+s3], $0x80, v5, vm0, $0xb8;
	[tilespmem:$0x18800] =	vst v63  }
0x3b: {  	s20 =	simm.s32 $0x4000;
	v4 =	vadd.s32 v2, v4  }
0x3c: {  	[tilespmem:s20], [sflag:$0x1] =	stream.indirect_vreg.gather [hbm4b:s5+s3], $0x80, v5, vm0, $0xb8;
	[tilespmem:$0x18800] =	vst v63  }
0x3d: {  	s22 =	simm.s32 $0x4800  }
0x3e: {  	[tilespmem:s22], [sflag:$0x1] =	stream.indirect_vreg.gather [hbm4b:s6+s3], $0x80, v5, vm0, $0xb8;
	[tilespmem:$0x18800] =	vst v63  }
0x3f: {  	s23 =	simm.s32 $0x5000  }
0x40: {  	[tilespmem:s23], [sflag:$0x1] =	stream.indirect_vreg.gather [hbm4b:s1+s3], $0x80, v4, vm0, $0xb8;
	[tilespmem:$0x18800] =	vst v63  }
0x41: {  	s24 =	simm.s32 $0x5800  }
0x42: {  	[tilespmem:s24], [sflag:$0x1] =	stream.indirect_vreg.gather [hbm4b:s5+s3], $0x80, v4, vm0, $0xb8;
	[tilespmem:$0x18800] =	vst v63  }
0x43: {  	s25 =	simm.s32 $0x6000  }
0x44: {  	[tilespmem:s25], [sflag:$0x1] =	stream.indirect_vreg.gather [hbm4b:s6+s3], $0x80, v4, vm0, $0xb8;
	[tilespmem:$0x18800] =	vst v63  }
0x45: {  	v4 =	vld [tilespmem:$0x80];
	_ =	sdelay $0x4  }
0x46: {  	v5 =	vadd.s32 v0, v4  }
0x47: {  	v19 =	vshrl.u32 v5, $0x3  }
0x48: {  	v6 =	vmul.u32 $0x30, v19  }
0x49: {  	v4 =	vand.u32 $0x7, v4  }
0x4a: {  	v4 =	vor.u32 v4, v6  }
0x4b: {  	v20 =	vld [tilespmem:$0x90];
	v21 =	vperm.xlane v4, v1;
	_ =	sdelay $0x1  }
0x4c: {  	v7 =	vadd.s32 v2, v21;
	_ =	sdelay $0x2  }
0x4d: {  	[tilespmem:$0x80] =	vst v5;
	v5 =	vadd.s32 v0, v20  }
0x4e: {  	s26 =	simm.s32 $0x6800;
	[tilespmem:$0x90] =	vst v5;
	v4 =	vperm.xlane v4, v3  }
0x4f: {  	[tilespmem:s26], [sflag:$0x2] =	stream.indirect_vreg.gather [hbm4b:s1+s3], $0x80, v7, vm0, $0xb8;
	[tilespmem:$0x18800] =	vst v63  }
0x50: {  	s28 =	simm.s32 $0x7000;
	v4 =	vadd.s32 v2, v4  }
0x51: {  	[tilespmem:s28], [sflag:$0x2] =	stream.indirect_vreg.gather [hbm4b:s5+s3], $0x80, v7, vm0, $0xb8;
	[tilespmem:$0x18800] =	vst v63  }
0x52: {  	s29 =	simm.s32 $0x7800  }
0x53: {  	[tilespmem:s29], [sflag:$0x2] =	stream.indirect_vreg.gather [hbm4b:s6+s3], $0x80, v7, vm0, $0xb8;
	[tilespmem:$0x18800] =	vst v63  }
0x54: {  	s30 =	simm.s32 $0x8000  }
0x55: {  	[tilespmem:s30], [sflag:$0x2] =	stream.indirect_vreg.gather [hbm4b:s1+s3], $0x80, v4, vm0, $0xb8;
	[tilespmem:$0x18800] =	vst v63  }
0x56: {  	s2 =	simm.s32 $0x8800  }
0x57: {  	[tilespmem:s2], [sflag:$0x2] =	stream.indirect_vreg.gather [hbm4b:s5+s3], $0x80, v4, vm0, $0xb8;
	[tilespmem:$0x18800] =	vst v63  }
0x58: {  	s4 =	simm.s32 $0x9000  }
0x59: {  	[tilespmem:s4], [sflag:$0x2] =	stream.indirect_vreg.gather [hbm4b:s6+s3], $0x80, v4, vm0, $0xb8;
	[tilespmem:$0x18800] =	vst v63  }
0x5a: {  	v4 =	vld [tilespmem:$0x90];
	_ =	sdelay $0x4  }
0x5b: {  	v5 =	vshrl.u32 v4, $0x3  }
0x5c: {  	v5 =	vmul.u32 $0x30, v5  }
0x5d: {  	v4 =	vand.u32 $0x7, v4  }
0x5e: {  	v4 =	vor.u32 v4, v5  }
0x5f: {  	v5 =	vperm.xlane v4, v1;
	_ =	sdelay $0x1  }
0x60: {  	v5 =	vadd.s32 v2, v5;
	_ =	sdelay $0x3  }
0x61: {  	s17 =	simm.s32 $0x9800;
	v4 =	vperm.xlane v4, v3  }
0x62: {  	[tilespmem:s17], [sflag:$0x2] =	stream.indirect_vreg.gather [hbm4b:s1+s3], $0x80, v5, vm0, $0xb8;
	[tilespmem:$0x18800] =	vst v63  }
0x63: {  	s22 =	simm.s32 $0xA000;
	v4 =	vadd.s32 v2, v4  }
0x64: {  	[tilespmem:s22], [sflag:$0x2] =	stream.indirect_vreg.gather [hbm4b:s5+s3], $0x80, v5, vm0, $0xb8;
	[tilespmem:$0x18800] =	vst v63  }
0x65: {  	s24 =	simm.s32 $0xA800  }
0x66: {  	[tilespmem:s24], [sflag:$0x2] =	stream.indirect_vreg.gather [hbm4b:s6+s3], $0x80, v5, vm0, $0xb8;
	[tilespmem:$0x18800] =	vst v63  }
0x67: {  	s25 =	simm.s32 $0xB000  }
0x68: {  	[tilespmem:s25], [sflag:$0x2] =	stream.indirect_vreg.gather [hbm4b:s1+s3], $0x80, v4, vm0, $0xb8;
	[tilespmem:$0x18800] =	vst v63  }
0x69: {  	s29 =	simm.s32 $0xB800  }
0x6a: {  	[tilespmem:s29], [sflag:$0x2] =	stream.indirect_vreg.gather [hbm4b:s5+s3], $0x80, v4, vm0, $0xb8;
	[tilespmem:$0x18800] =	vst v63  }
0x6b: {  	s2 =	simm.s32 $0xC000  }
0x6c: {  	[tilespmem:s2], [sflag:$0x2] =	stream.indirect_vreg.gather [hbm4b:s6+s3], $0x80, v4, vm0, $0xb8;
	[tilespmem:$0x18800] =	vst v63  }
0x6d: {  	v4 =	vld [tilespmem:$0x100];
	_ =	sdelay $0x4  }
0x6e: {  	v5 =	vadd.s32 v0, v4  }
0x6f: {  	v22 =	vshrl.u32 v5, $0x3  }
0x70: {  	v6 =	vmul.u32 $0x30, v22  }
0x71: {  	v4 =	vand.u32 $0x7, v4  }
0x72: {  	v4 =	vor.u32 v4, v6  }
0x73: {  	v23 =	vld [tilespmem:$0x110];
	v24 =	vperm.xlane v4, v1;
	_ =	sdelay $0x1  }
0x74: {  	v7 =	vadd.s32 v2, v24;
	_ =	sdelay $0x2  }
0x75: {  	[tilespmem:$0x100] =	vst v5;
	v5 =	vadd.s32 v0, v23  }
0x76: {  	s4 =	simm.s32 $0xC800;
	[tilespmem:$0x110] =	vst v5;
	v4 =	vperm.xlane v4, v3  }
0x77: {  	[tilespmem:s4], [sflag:$0x3] =	stream.indirect_vreg.gather [hbm4b:s1+s3], $0x80, v7, vm0, $0xb8;
	[tilespmem:$0x18800] =	vst v63  }
0x78: {  	s17 =	simm.s32 $0xD000;
	v4 =	vadd.s32 v2, v4  }
0x79: {  	[tilespmem:s17], [sflag:$0x3] =	stream.indirect_vreg.gather [hbm4b:s5+s3], $0x80, v7, vm0, $0xb8;
	[tilespmem:$0x18800] =	vst v63  }
0x7a: {  	s22 =	simm.s32 $0xD800  }
0x7b: {  	[tilespmem:s22], [sflag:$0x3] =	stream.indirect_vreg.gather [hbm4b:s6+s3], $0x80, v7, vm0, $0xb8;
	[tilespmem:$0x18800] =	vst v63  }
0x7c: {  	s24 =	simm.s32 $0xE000  }
0x7d: {  	[tilespmem:s24], [sflag:$0x3] =	stream.indirect_vreg.gather [hbm4b:s1+s3], $0x80, v4, vm0, $0xb8;
	[tilespmem:$0x18800] =	vst v63  }
0x7e: {  	s25 =	simm.s32 $0xE800  }
0x7f: {  	[tilespmem:s25], [sflag:$0x3] =	stream.indirect_vreg.gather [hbm4b:s5+s3], $0x80, v4, vm0, $0xb8;
	[tilespmem:$0x18800] =	vst v63  }
0x80: {  	s29 =	simm.s32 $0xF000  }
0x81: {  	[tilespmem:s29], [sflag:$0x3] =	stream.indirect_vreg.gather [hbm4b:s6+s3], $0x80, v4, vm0, $0xb8;
	[tilespmem:$0x18800] =	vst v63  }
0x82: {  	v4 =	vld [tilespmem:$0x110];
	_ =	sdelay $0x4  }
0x83: {  	v5 =	vshrl.u32 v4, $0x3  }
0x84: {  	v5 =	vmul.u32 $0x30, v5  }
0x85: {  	v4 =	vand.u32 $0x7, v4  }
0x86: {  	v4 =	vor.u32 v4, v5  }
0x87: {  	v5 =	vperm.xlane v4, v1;
	_ =	sdelay $0x1  }
0x88: {  	v5 =	vadd.s32 v2, v5;
	_ =	sdelay $0x3  }
0x89: {  	s2 =	simm.s32 $0xF800;
	v4 =	vperm.xlane v4, v3  }
0x8a: {  	[tilespmem:s2], [sflag:$0x3] =	stream.indirect_vreg.gather [hbm4b:s1+s3], $0x80, v5, vm0, $0xb8;
	[tilespmem:$0x18800] =	vst v63  }
0x8b: {  	s4 =	simm.s32 $0x10000;
	v4 =	vadd.s32 v2, v4  }
0x8c: {  	[tilespmem:s4], [sflag:$0x3] =	stream.indirect_vreg.gather [hbm4b:s5+s3], $0x80, v5, vm0, $0xb8;
	[tilespmem:$0x18800] =	vst v63  }
0x8d: {  	s17 =	simm.s32 $0x10800  }
0x8e: {  	[tilespmem:s17], [sflag:$0x3] =	stream.indirect_vreg.gather [hbm4b:s6+s3], $0x80, v5, vm0, $0xb8;
	[tilespmem:$0x18800] =	vst v63  }
0x8f: {  	s22 =	simm.s32 $0x11000  }
0x90: {  	[tilespmem:s22], [sflag:$0x3] =	stream.indirect_vreg.gather [hbm4b:s1+s3], $0x80, v4, vm0, $0xb8;
	[tilespmem:$0x18800] =	vst v63  }
0x91: {  	s29 =	simm.s32 $0x11800  }
0x92: {  	[tilespmem:s29], [sflag:$0x3] =	stream.indirect_vreg.gather [hbm4b:s5+s3], $0x80, v4, vm0, $0xb8;
	[tilespmem:$0x18800] =	vst v63  }
0x93: {  	s2 =	simm.s32 $0x12000  }
0x94: {  	[tilespmem:s2], [sflag:$0x3] =	stream.indirect_vreg.gather [hbm4b:s6+s3], $0x80, v4, vm0, $0xb8;
	[tilespmem:$0x18800] =	vst v63  }
0x95: {  	v4 =	vld [tilespmem:$0x180];
	_ =	sdelay $0x4  }
0x96: {  	v5 =	vadd.s32 v0, v4  }
0x97: {  	v25 =	vshrl.u32 v5, $0x3  }
0x98: {  	v6 =	vmul.u32 $0x30, v25  }
0x99: {  	v4 =	vand.u32 $0x7, v4  }
0x9a: {  	v4 =	vor.u32 v4, v6  }
0x9b: {  	v26 =	vld [tilespmem:$0x190];
	v27 =	vperm.xlane v4, v1;
	_ =	sdelay $0x1  }
0x9c: {  	v7 =	vadd.s32 v2, v27;
	_ =	sdelay $0x2  }
0x9d: {  	[tilespmem:$0x180] =	vst v5;
	v5 =	vadd.s32 v0, v26  }
0x9e: {  	s0 =	simm.s32 $0x12800;
	[tilespmem:$0x190] =	vst v5;
	v4 =	vperm.xlane v4, v3  }
0x9f: {  	[tilespmem:s0], [sflag:$0x4] =	stream.indirect_vreg.gather [hbm4b:s1+s3], $0x80, v7, vm0, $0xb8;
	[tilespmem:$0x18800] =	vst v63  }
0xa0: {  	s4 =	simm.s32 $0x13000;
	v4 =	vadd.s32 v2, v4  }
0xa1: {  	[tilespmem:s4], [sflag:$0x4] =	stream.indirect_vreg.gather [hbm4b:s5+s3], $0x80, v7, vm0, $0xb8;
	[tilespmem:$0x18800] =	vst v63  }
0xa2: {  	s22 =	simm.s32 $0x13800  }
0xa3: {  	[tilespmem:s22], [sflag:$0x4] =	stream.indirect_vreg.gather [hbm4b:s6+s3], $0x80, v7, vm0, $0xb8;
	[tilespmem:$0x18800] =	vst v63  }
0xa4: {  	s29 =	simm.s32 $0x14000  }
0xa5: {  	[tilespmem:s29], [sflag:$0x4] =	stream.indirect_vreg.gather [hbm4b:s1+s3], $0x80, v4, vm0, $0xb8;
	[tilespmem:$0x18800] =	vst v63  }
0xa6: {  	s2 =	simm.s32 $0x14800  }
0xa7: {  	[tilespmem:s2], [sflag:$0x4] =	stream.indirect_vreg.gather [hbm4b:s5+s3], $0x80, v4, vm0, $0xb8;
	[tilespmem:$0x18800] =	vst v63  }
0xa8: {  	s4 =	simm.s32 $0x15000  }
0xa9: {  	[tilespmem:s4], [sflag:$0x4] =	stream.indirect_vreg.gather [hbm4b:s6+s3], $0x80, v4, vm0, $0xb8;
	[tilespmem:$0x18800] =	vst v63  }
0xaa: {  	v4 =	vld [tilespmem:$0x190];
	_ =	sdelay $0x4  }
0xab: {  	v5 =	vshrl.u32 v4, $0x3  }
0xac: {  	v5 =	vmul.u32 $0x30, v5  }
0xad: {  	v4 =	vand.u32 $0x7, v4  }
0xae: {  	v4 =	vor.u32 v4, v5  }
0xaf: {  	v5 =	vperm.xlane v4, v1;
	_ =	sdelay $0x1  }
0xb0: {  	v5 =	vadd.s32 v2, v5;
	_ =	sdelay $0x3  }
0xb1: {  	s22 =	simm.s32 $0x15800;
	v4 =	vperm.xlane v4, v3  }
0xb2: {  	[tilespmem:s22], [sflag:$0x4] =	stream.indirect_vreg.gather [hbm4b:s1+s3], $0x80, v5, vm0, $0xb8;
	[tilespmem:$0x18800] =	vst v63  }
0xb3: {  	s29 =	simm.s32 $0x16000;
	v4 =	vadd.s32 v2, v4  }
0xb4: {  	[tilespmem:s29], [sflag:$0x4] =	stream.indirect_vreg.gather [hbm4b:s5+s3], $0x80, v5, vm0, $0xb8;
	[tilespmem:$0x18800] =	vst v63  }
0xb5: {  	s2 =	simm.s32 $0x16800  }
0xb6: {  	[tilespmem:s2], [sflag:$0x4] =	stream.indirect_vreg.gather [hbm4b:s6+s3], $0x80, v5, vm0, $0xb8;
	[tilespmem:$0x18800] =	vst v63  }
0xb7: {  	s4 =	simm.s32 $0x17000  }
0xb8: {  	[tilespmem:s4], [sflag:$0x4] =	stream.indirect_vreg.gather [hbm4b:s1+s3], $0x80, v4, vm0, $0xb8;
	[tilespmem:$0x18800] =	vst v63  }
0xb9: {  	s22 =	simm.s32 $0x17800  }
0xba: {  	[tilespmem:s22], [sflag:$0x4] =	stream.indirect_vreg.gather [hbm4b:s5+s3], $0x80, v4, vm0, $0xb8;
	[tilespmem:$0x18800] =	vst v63  }
0xbb: {  	s29 =	simm.s32 $0x18000  }
0xbc: {  	[tilespmem:s29], [sflag:$0x4] =	stream.indirect_vreg.gather [hbm4b:s6+s3], $0x80, v4, vm0, $0xb8;
	[tilespmem:$0x18800] =	vst v63  }
0xbd: {  	_ =	swait.ge [sflag:s8], $0x6000  }
0xbe: {  	[sflag:s8] =	ssyncset.done $0x0  }
0xbf: {  	s4 =	simm.s32 $0x800;
	s2 =	rddreg [dreg:$0x14];
	[sflag:s8] =	ssyncadd.s32 $0xFFFFA000  }
0xc0: {  	[hbm4b:s2+s3] =	stream.linear.scatter [tilespmem:s4], [sflag:$0x5], $0x6000, $0x38;
	[tilespmem:$0x18800] =	vst v63  }
0xc1: {  	_ =	swait.ge [sflag:s10], $0x6000  }
0xc2: {  	[sflag:s10] =	ssyncset.done $0x0  }
0xc3: {  	[sflag:s10] =	ssyncadd.s32 $0xFFFFA000  }
0xc4: {  	v4 =	vld [tilespmem:$0x200];
	_ =	sdelay $0x4  }
0xc5: {  	v5 =	vadd.s32 v0, v4  }
0xc6: {  	v28 =	vshrl.u32 v5, $0x3  }
0xc7: {  	v6 =	vmul.u32 $0x30, v28  }
0xc8: {  	v4 =	vand.u32 $0x7, v4  }
0xc9: {  	v4 =	vor.u32 v4, v6  }
0xca: {  	v29 =	vld [tilespmem:$0x210];
	v30 =	vperm.xlane v4, v1;
	_ =	sdelay $0x1  }
0xcb: {  	v7 =	vadd.s32 v2, v30;
	_ =	sdelay $0x2  }
0xcc: {  	[tilespmem:$0x200] =	vst v5;
	v5 =	vadd.s32 v0, v29  }
0xcd: {  	[tilespmem:$0x210] =	vst v5;
	v4 =	vperm.xlane v4, v3  }
0xce: {  	[tilespmem:s4], [sflag:$0x1] =	stream.indirect_vreg.gather [hbm4b:s1+s3], $0x80, v7, vm0, $0xb8;
	[tilespmem:$0x18800] =	vst v63  }
0xcf: {  	s19 =	simm.s32 $0x1000;
	v4 =	vadd.s32 v2, v4  }
0xd0: {  	[tilespmem:s19], [sflag:$0x1] =	stream.indirect_vreg.gather [hbm4b:s5+s3], $0x80, v7, vm0, $0xb8;
	[tilespmem:$0x18800] =	vst v63  }
0xd1: {  	s31 =	simm.s32 $0x1800  }
0xd2: {  	[tilespmem:s31], [sflag:$0x1] =	stream.indirect_vreg.gather [hbm4b:s6+s3], $0x80, v7, vm0, $0xb8;
	[tilespmem:$0x18800] =	vst v63  }
0xd3: {  	s22 =	simm.s32 $0x2000  }
0xd4: {  	[tilespmem:s22], [sflag:$0x1] =	stream.indirect_vreg.gather [hbm4b:s1+s3], $0x80, v4, vm0, $0xb8;
	[tilespmem:$0x18800] =	vst v63  }
0xd5: {  	s29 =	simm.s32 $0x2800  }
0xd6: {  	[tilespmem:s29], [sflag:$0x1] =	stream.indirect_vreg.gather [hbm4b:s5+s3], $0x80, v4, vm0, $0xb8;
	[tilespmem:$0x18800] =	vst v63  }
0xd7: {  	s21 =	simm.s32 $0x3000  }
0xd8: {  	[tilespmem:s21], [sflag:$0x1] =	stream.indirect_vreg.gather [hbm4b:s6+s3], $0x80, v4, vm0, $0xb8;
	[tilespmem:$0x18800] =	vst v63  }
0xd9: {  	v4 =	vld [tilespmem:$0x210];
	_ =	sdelay $0x4  }
0xda: {  	v5 =	vshrl.u32 v4, $0x3  }
0xdb: {  	v5 =	vmul.u32 $0x30, v5  }
0xdc: {  	v4 =	vand.u32 $0x7, v4  }
0xdd: {  	v4 =	vor.u32 v4, v5  }
0xde: {  	v5 =	vperm.xlane v4, v1;
	_ =	sdelay $0x1  }
0xdf: {  	v5 =	vadd.s32 v2, v5;
	_ =	sdelay $0x3  }
0xe0: {  	s21 =	simm.s32 $0x3800;
	v4 =	vperm.xlane v4, v3  }
0xe1: {  	[tilespmem:s21], [sflag:$0x1] =	stream.indirect_vreg.gather [hbm4b:s1+s3], $0x80, v5, vm0, $0xb8;
	[tilespmem:$0x18800] =	vst v63  }
0xe2: {  	v4 =	vadd.s32 v2, v4;
	s21 =	simm.s32 $0x4000  }
0xe3: {  	[tilespmem:s21], [sflag:$0x1] =	stream.indirect_vreg.gather [hbm4b:s5+s3], $0x80, v5, vm0, $0xb8;
	[tilespmem:$0x18800] =	vst v63  }
0xe4: {  	s31 =	simm.s32 $0x4800  }
0xe5: {  	[tilespmem:s31], [sflag:$0x1] =	stream.indirect_vreg.gather [hbm4b:s6+s3], $0x80, v5, vm0, $0xb8;
	[tilespmem:$0x18800] =	vst v63  }
0xe6: {  	s17 =	simm.s32 $0x5000  }
0xe7: {  	[tilespmem:s17], [sflag:$0x1] =	stream.indirect_vreg.gather [hbm4b:s1+s3], $0x80, v4, vm0, $0xb8;
	[tilespmem:$0x18800] =	vst v63  }
0xe8: {  	s19 =	simm.s32 $0x5800  }
0xe9: {  	[tilespmem:s19], [sflag:$0x1] =	stream.indirect_vreg.gather [hbm4b:s5+s3], $0x80, v4, vm0, $0xb8;
	[tilespmem:$0x18800] =	vst v63  }
0xea: {  	s31 =	simm.s32 $0x6000  }
0xeb: {  	[tilespmem:s31], [sflag:$0x1] =	stream.indirect_vreg.gather [hbm4b:s6+s3], $0x80, v4, vm0, $0xb8;
	[tilespmem:$0x18800] =	vst v63  }
0xec: {  	_ =	swait.ge [sflag:s11], $0x6000  }
0xed: {  	[sflag:s11] =	ssyncset.done $0x0  }
0xee: {  	s19 =	simm.s32 $0x6800;
	s4 =	rddreg [dreg:$0x5];
	[sflag:s11] =	ssyncadd.s32 $0xFFFFA000  }
0xef: {  	[hbm4b:s4+s3] =	stream.linear.scatter [tilespmem:s19], [sflag:$0x6], $0x6000, $0x38;
	[tilespmem:$0x18800] =	vst v63  }
0xf0: {  	_ =	swait.ge [sflag:s12], $0x6000  }
0xf1: {  	[sflag:s12] =	ssyncset.done $0x0  }
0xf2: {  	[sflag:s12] =	ssyncadd.s32 $0xFFFFA000  }
0xf3: {  	v4 =	vld [tilespmem:$0x280];
	_ =	sdelay $0x4  }
0xf4: {  	v5 =	vadd.s32 v0, v4  }
0xf5: {  	v31 =	vshrl.u32 v5, $0x3  }
0xf6: {  	v6 =	vmul.u32 $0x30, v31  }
0xf7: {  	v4 =	vand.u32 $0x7, v4  }
0xf8: {  	v4 =	vor.u32 v4, v6  }
0xf9: {  	v32 =	vld [tilespmem:$0x290];
	v33 =	vperm.xlane v4, v1;
	_ =	sdelay $0x1  }
0xfa: {  	v7 =	vadd.s32 v2, v33;
	_ =	sdelay $0x2  }
0xfb: {  	[tilespmem:$0x280] =	vst v5;
	v5 =	vadd.s32 v0, v32  }
0xfc: {  	[tilespmem:$0x290] =	vst v5;
	v4 =	vperm.xlane v4, v3  }
0xfd: {  	[tilespmem:s19], [sflag:$0x2] =	stream.indirect_vreg.gather [hbm4b:s1+s3], $0x80, v7, vm0, $0xb8;
	[tilespmem:$0x18800] =	vst v63  }
0xfe: {  	s20 =	simm.s32 $0x7000;
	v4 =	vadd.s32 v2, v4  }
0xff: {  	[tilespmem:s20], [sflag:$0x2] =	stream.indirect_vreg.gather [hbm4b:s5+s3], $0x80, v7, vm0, $0xb8;
	[tilespmem:$0x18800] =	vst v63  }
0x100: {  	s9 =	simm.s32 $0x7800  }
0x101: {  	[tilespmem:s9], [sflag:$0x2] =	stream.indirect_vreg.gather [hbm4b:s6+s3], $0x80, v7, vm0, $0xb8;
	[tilespmem:$0x18800] =	vst v63  }
0x102: {  	s23 =	simm.s32 $0x8000  }
0x103: {  	[tilespmem:s23], [sflag:$0x2] =	stream.indirect_vreg.gather [hbm4b:s1+s3], $0x80, v4, vm0, $0xb8;
	[tilespmem:$0x18800] =	vst v63  }
0x104: {  	s26 =	simm.s32 $0x8800  }
0x105: {  	[tilespmem:s26], [sflag:$0x2] =	stream.indirect_vreg.gather [hbm4b:s5+s3], $0x80, v4, vm0, $0xb8;
	[tilespmem:$0x18800] =	vst v63  }
0x106: {  	s18 =	simm.s32 $0x9000  }
0x107: {  	[tilespmem:s18], [sflag:$0x2] =	stream.indirect_vreg.gather [hbm4b:s6+s3], $0x80, v4, vm0, $0xb8;
	[tilespmem:$0x18800] =	vst v63  }
0x108: {  	v4 =	vld [tilespmem:$0x290];
	_ =	sdelay $0x4  }
0x109: {  	v5 =	vshrl.u32 v4, $0x3  }
0x10a: {  	v5 =	vmul.u32 $0x30, v5  }
0x10b: {  	v4 =	vand.u32 $0x7, v4  }
0x10c: {  	v4 =	vor.u32 v4, v5  }
0x10d: {  	v5 =	vperm.xlane v4, v1;
	_ =	sdelay $0x1  }
0x10e: {  	v5 =	vadd.s32 v2, v5;
	_ =	sdelay $0x3  }
0x10f: {  	s30 =	simm.s32 $0x9800;
	v4 =	vperm.xlane v4, v3  }
0x110: {  	[tilespmem:s30], [sflag:$0x2] =	stream.indirect_vreg.gather [hbm4b:s1+s3], $0x80, v5, vm0, $0xb8;
	[tilespmem:$0x18800] =	vst v63  }
0x111: {  	s28 =	simm.s32 $0xA000;
	v4 =	vadd.s32 v2, v4  }
0x112: {  	[tilespmem:s28], [sflag:$0x2] =	stream.indirect_vreg.gather [hbm4b:s5+s3], $0x80, v5, vm0, $0xb8;
	[tilespmem:$0x18800] =	vst v63  }
0x113: {  	s30 =	simm.s32 $0xA800  }
0x114: {  	[tilespmem:s30], [sflag:$0x2] =	stream.indirect_vreg.gather [hbm4b:s6+s3], $0x80, v5, vm0, $0xb8;
	[tilespmem:$0x18800] =	vst v63  }
0x115: {  	s31 =	simm.s32 $0xB000  }
0x116: {  	[tilespmem:s31], [sflag:$0x2] =	stream.indirect_vreg.gather [hbm4b:s1+s3], $0x80, v4, vm0, $0xb8;
	[tilespmem:$0x18800] =	vst v63  }
0x117: {  	s18 =	simm.s32 $0xB800  }
0x118: {  	[tilespmem:s18], [sflag:$0x2] =	stream.indirect_vreg.gather [hbm4b:s5+s3], $0x80, v4, vm0, $0xb8;
	[tilespmem:$0x18800] =	vst v63  }
0x119: {  	s19 =	simm.s32 $0xC000  }
0x11a: {  	[tilespmem:s19], [sflag:$0x2] =	stream.indirect_vreg.gather [hbm4b:s6+s3], $0x80, v4, vm0, $0xb8;
	[tilespmem:$0x18800] =	vst v63  }
0x11b: {  	_ =	swait.ge [sflag:s13], $0x6000  }
0x11c: {  	[sflag:s13] =	ssyncset.done $0x0  }
0x11d: {  	s26 =	simm.s32 $0xC800;
	s23 =	rddreg [dreg:$0x6];
	[sflag:s13] =	ssyncadd.s32 $0xFFFFA000  }
0x11e: {  	[hbm4b:s23+s3] =	stream.linear.scatter [tilespmem:s26], [sflag:$0x7], $0x6000, $0x38;
	[tilespmem:$0x18800] =	vst v63  }
0x11f: {  	_ =	swait.ge [sflag:s14], $0x6000  }
0x120: {  	[sflag:s14] =	ssyncset.done $0x0  }
0x121: {  	[sflag:s14] =	ssyncadd.s32 $0xFFFFA000  }
0x122: {  	v4 =	vld [tilespmem:$0x300];
	_ =	sdelay $0x4  }
0x123: {  	v5 =	vadd.s32 v0, v4  }
0x124: {  	v34 =	vshrl.u32 v5, $0x3  }
0x125: {  	v6 =	vmul.u32 $0x30, v34  }
0x126: {  	v4 =	vand.u32 $0x7, v4  }
0x127: {  	v4 =	vor.u32 v4, v6  }
0x128: {  	v35 =	vld [tilespmem:$0x310];
	v36 =	vperm.xlane v4, v1;
	_ =	sdelay $0x1  }
0x129: {  	v7 =	vadd.s32 v2, v36;
	_ =	sdelay $0x2  }
0x12a: {  	[tilespmem:$0x300] =	vst v5;
	v5 =	vadd.s32 v0, v35  }
0x12b: {  	[tilespmem:$0x310] =	vst v5;
	v4 =	vperm.xlane v4, v3  }
0x12c: {  	[tilespmem:s26], [sflag:$0x3] =	stream.indirect_vreg.gather [hbm4b:s1+s3], $0x80, v7, vm0, $0xb8;
	[tilespmem:$0x18800] =	vst v63  }
0x12d: {  	s28 =	simm.s32 $0xD000;
	v4 =	vadd.s32 v2, v4  }
0x12e: {  	[tilespmem:s28], [sflag:$0x3] =	stream.indirect_vreg.gather [hbm4b:s5+s3], $0x80, v7, vm0, $0xb8;
	[tilespmem:$0x18800] =	vst v63  }
0x12f: {  	s20 =	simm.s32 $0xD800  }
0x130: {  	[tilespmem:s20], [sflag:$0x3] =	stream.indirect_vreg.gather [hbm4b:s6+s3], $0x80, v7, vm0, $0xb8;
	[tilespmem:$0x18800] =	vst v63  }
0x131: {  	s9 =	simm.s32 $0xE000  }
0x132: {  	[tilespmem:s9], [sflag:$0x3] =	stream.indirect_vreg.gather [hbm4b:s1+s3], $0x80, v4, vm0, $0xb8;
	[tilespmem:$0x18800] =	vst v63  }
0x133: {  	s23 =	simm.s32 $0xE800  }
0x134: {  	[tilespmem:s23], [sflag:$0x3] =	stream.indirect_vreg.gather [hbm4b:s5+s3], $0x80, v4, vm0, $0xb8;
	[tilespmem:$0x18800] =	vst v63  }
0x135: {  	s24 =	simm.s32 $0xF000  }
0x136: {  	[tilespmem:s24], [sflag:$0x3] =	stream.indirect_vreg.gather [hbm4b:s6+s3], $0x80, v4, vm0, $0xb8;
	[tilespmem:$0x18800] =	vst v63  }
0x137: {  	v4 =	vld [tilespmem:$0x310];
	_ =	sdelay $0x4  }
0x138: {  	v5 =	vshrl.u32 v4, $0x3  }
0x139: {  	v5 =	vmul.u32 $0x30, v5  }
0x13a: {  	v4 =	vand.u32 $0x7, v4  }
0x13b: {  	v4 =	vor.u32 v4, v5  }
0x13c: {  	v5 =	vperm.xlane v4, v1;
	_ =	sdelay $0x1  }
0x13d: {  	v5 =	vadd.s32 v2, v5;
	_ =	sdelay $0x3  }
0x13e: {  	s25 =	simm.s32 $0xF800;
	v4 =	vperm.xlane v4, v3  }
0x13f: {  	[tilespmem:s25], [sflag:$0x3] =	stream.indirect_vreg.gather [hbm4b:s1+s3], $0x80, v5, vm0, $0xb8;
	[tilespmem:$0x18800] =	vst v63  }
0x140: {  	s24 =	simm.s32 $0x10000;
	v4 =	vadd.s32 v2, v4  }
0x141: {  	[tilespmem:s24], [sflag:$0x3] =	stream.indirect_vreg.gather [hbm4b:s5+s3], $0x80, v5, vm0, $0xb8;
	[tilespmem:$0x18800] =	vst v63  }
0x142: {  	s25 =	simm.s32 $0x10800  }
0x143: {  	[tilespmem:s25], [sflag:$0x3] =	stream.indirect_vreg.gather [hbm4b:s6+s3], $0x80, v5, vm0, $0xb8;
	[tilespmem:$0x18800] =	vst v63  }
0x144: {  	s26 =	simm.s32 $0x11000  }
0x145: {  	[tilespmem:s26], [sflag:$0x3] =	stream.indirect_vreg.gather [hbm4b:s1+s3], $0x80, v4, vm0, $0xb8;
	[tilespmem:$0x18800] =	vst v63  }
0x146: {  	s28 =	simm.s32 $0x11800  }
0x147: {  	[tilespmem:s28], [sflag:$0x3] =	stream.indirect_vreg.gather [hbm4b:s5+s3], $0x80, v4, vm0, $0xb8;
	[tilespmem:$0x18800] =	vst v63  }
0x148: {  	s17 =	simm.s32 $0x12000  }
0x149: {  	[tilespmem:s17], [sflag:$0x3] =	stream.indirect_vreg.gather [hbm4b:s6+s3], $0x80, v4, vm0, $0xb8;
	[tilespmem:$0x18800] =	vst v63  }
0x14a: {  	_ =	swait.ge [sflag:s15], $0x6000  }
0x14b: {  	[sflag:s15] =	ssyncset.done $0x0  }
0x14c: {  	s17 =	rddreg [dreg:$0x7];
	[sflag:s15] =	ssyncadd.s32 $0xFFFFA000  }
0x14d: {  	[hbm4b:s17+s3] =	stream.linear.scatter [tilespmem:s0], [sflag:$0x8], $0x6000, $0x38;
	[tilespmem:$0x18800] =	vst v63  }
0x14e: {  	_ =	swait.ge [sflag:s16], $0x6000  }
0x14f: {  	[sflag:s16] =	ssyncset.done $0x0  }
0x150: {  	[sflag:s16] =	ssyncadd.s32 $0xFFFFA000  }
0x151: {  	v4 =	vld [tilespmem:$0x380];
	_ =	sdelay $0x4  }
0x152: {  	v5 =	vadd.s32 v0, v4  }
0x153: {  	v37 =	vshrl.u32 v5, $0x3  }
0x154: {  	v6 =	vmul.u32 $0x30, v37  }
0x155: {  	v4 =	vand.u32 $0x7, v4  }
0x156: {  	v4 =	vor.u32 v4, v6  }
0x157: {  	v38 =	vld [tilespmem:$0x390];
	v39 =	vperm.xlane v4, v1;
	_ =	sdelay $0x1  }
0x158: {  	v7 =	vadd.s32 v2, v39;
	_ =	sdelay $0x2  }
0x159: {  	[tilespmem:$0x380] =	vst v5;
	v5 =	vadd.s32 v0, v38  }
0x15a: {  	[tilespmem:$0x390] =	vst v5;
	v4 =	vperm.xlane v4, v3  }
0x15b: {  	[tilespmem:s0], [sflag:$0x4] =	stream.indirect_vreg.gather [hbm4b:s1+s3], $0x80, v7, vm0, $0xb8;
	[tilespmem:$0x18800] =	vst v63  }
0x15c: {  	s17 =	simm.s32 $0x13000;
	v4 =	vadd.s32 v2, v4  }
0x15d: {  	[tilespmem:s17], [sflag:$0x4] =	stream.indirect_vreg.gather [hbm4b:s5+s3], $0x80, v7, vm0, $0xb8;
	[tilespmem:$0x18800] =	vst v63  }
0x15e: {  	s17 =	simm.s32 $0x13800  }
0x15f: {  	[tilespmem:s17], [sflag:$0x4] =	stream.indirect_vreg.gather [hbm4b:s6+s3], $0x80, v7, vm0, $0xb8;
	[tilespmem:$0x18800] =	vst v63  }
0x160: {  	s17 =	simm.s32 $0x14000  }
0x161: {  	[tilespmem:s17], [sflag:$0x4] =	stream.indirect_vreg.gather [hbm4b:s1+s3], $0x80, v4, vm0, $0xb8;
	[tilespmem:$0x18800] =	vst v63  }
0x162: {  	s17 =	simm.s32 $0x14800  }
0x163: {  	[tilespmem:s17], [sflag:$0x4] =	stream.indirect_vreg.gather [hbm4b:s5+s3], $0x80, v4, vm0, $0xb8;
	[tilespmem:$0x18800] =	vst v63  }
0x164: {  	s17 =	simm.s32 $0x15000  }
0x165: {  	[tilespmem:s17], [sflag:$0x4] =	stream.indirect_vreg.gather [hbm4b:s6+s3], $0x80, v4, vm0, $0xb8;
	[tilespmem:$0x18800] =	vst v63  }
0x166: {  	v4 =	vld [tilespmem:$0x390];
	_ =	sdelay $0x4  }
0x167: {  	v5 =	vshrl.u32 v4, $0x3  }
0x168: {  	v5 =	vmul.u32 $0x30, v5  }
0x169: {  	v4 =	vand.u32 $0x7, v4  }
0x16a: {  	v4 =	vor.u32 v4, v5  }
0x16b: {  	v5 =	vperm.xlane v4, v1;
	_ =	sdelay $0x1  }
0x16c: {  	v5 =	vadd.s32 v2, v5;
	_ =	sdelay $0x3  }
0x16d: {  	s17 =	simm.s32 $0x15800;
	v4 =	vperm.xlane v4, v3  }
0x16e: {  	[tilespmem:s17], [sflag:$0x4] =	stream.indirect_vreg.gather [hbm4b:s1+s3], $0x80, v5, vm0, $0xb8;
	[tilespmem:$0x18800] =	vst v63  }
0x16f: {  	v4 =	vadd.s32 v2, v4;
	s17 =	simm.s32 $0x16000  }
0x170: {  	[tilespmem:s17], [sflag:$0x4] =	stream.indirect_vreg.gather [hbm4b:s5+s3], $0x80, v5, vm0, $0xb8;
	[tilespmem:$0x18800] =	vst v63  }
0x171: {  	s17 =	simm.s32 $0x16800  }
0x172: {  	[tilespmem:s17], [sflag:$0x4] =	stream.indirect_vreg.gather [hbm4b:s6+s3], $0x80, v5, vm0, $0xb8;
	[tilespmem:$0x18800] =	vst v63  }
0x173: {  	s17 =	simm.s32 $0x17000  }
0x174: {  	[tilespmem:s17], [sflag:$0x4] =	stream.indirect_vreg.gather [hbm4b:s1+s3], $0x80, v4, vm0, $0xb8;
	[tilespmem:$0x18800] =	vst v63  }
0x175: {  	s17 =	simm.s32 $0x17800  }
0x176: {  	[tilespmem:s17], [sflag:$0x4] =	stream.indirect_vreg.gather [hbm4b:s5+s3], $0x80, v4, vm0, $0xb8;
	[tilespmem:$0x18800] =	vst v63  }
0x177: {  	s17 =	simm.s32 $0x18000  }
0x178: {  	[tilespmem:s17], [sflag:$0x4] =	stream.indirect_vreg.gather [hbm4b:s6+s3], $0x80, v4, vm0, $0xb8;
	[tilespmem:$0x18800] =	vst v63  }
0x179: {  	_ =	swait.ge [sflag:s8], $0x6000  }
0x17a: {  	[sflag:s8] =	ssyncset.done $0x0  }
0x17b: {  	s2 =	simm.s32 $0x800;
	s17 =	rddreg [dreg:$0x8];
	[sflag:s8] =	ssyncadd.s32 $0xFFFFA000  }
0x17c: {  	[hbm4b:s17+s3] =	stream.linear.scatter [tilespmem:s2], [sflag:$0x5], $0x6000, $0x38;
	[tilespmem:$0x18800] =	vst v63  }
0x17d: {  	_ =	swait.ge [sflag:s10], $0x6000  }
0x17e: {  	[sflag:s10] =	ssyncset.done $0x0  }
0x17f: {  	[sflag:s10] =	ssyncadd.s32 $0xFFFFA000  }
0x180: {  	v4 =	vld [tilespmem:$0x400];
	_ =	sdelay $0x4  }
0x181: {  	v5 =	vadd.s32 v0, v4  }
0x182: {  	v40 =	vshrl.u32 v5, $0x3  }
0x183: {  	v6 =	vmul.u32 $0x30, v40  }
0x184: {  	v4 =	vand.u32 $0x7, v4  }
0x185: {  	v4 =	vor.u32 v4, v6  }
0x186: {  	v41 =	vld [tilespmem:$0x410];
	v42 =	vperm.xlane v4, v1;
	_ =	sdelay $0x1  }
0x187: {  	v7 =	vadd.s32 v2, v42;
	_ =	sdelay $0x2  }
0x188: {  	[tilespmem:$0x400] =	vst v5;
	v5 =	vadd.s32 v0, v41  }
0x189: {  	[tilespmem:$0x410] =	vst v5;
	v4 =	vperm.xlane v4, v3  }
0x18a: {  	[tilespmem:s2], [sflag:$0x1] =	stream.indirect_vreg.gather [hbm4b:s1+s3], $0x80, v7, vm0, $0xb8;
	[tilespmem:$0x18800] =	vst v63  }
0x18b: {  	s17 =	simm.s32 $0x1000;
	v4 =	vadd.s32 v2, v4  }
0x18c: {  	[tilespmem:s17], [sflag:$0x1] =	stream.indirect_vreg.gather [hbm4b:s5+s3], $0x80, v7, vm0, $0xb8;
	[tilespmem:$0x18800] =	vst v63  }
0x18d: {  	s17 =	simm.s32 $0x1800  }
0x18e: {  	[tilespmem:s17], [sflag:$0x1] =	stream.indirect_vreg.gather [hbm4b:s6+s3], $0x80, v7, vm0, $0xb8;
	[tilespmem:$0x18800] =	vst v63  }
0x18f: {  	_ = 	snop  }
0x190: {  	[tilespmem:s22], [sflag:$0x1] =	stream.indirect_vreg.gather [hbm4b:s1+s3], $0x80, v4, vm0, $0xb8;
	[tilespmem:$0x18800] =	vst v63  }
0x191: {  	_ = 	snop  }
0x192: {  	[tilespmem:s29], [sflag:$0x1] =	stream.indirect_vreg.gather [hbm4b:s5+s3], $0x80, v4, vm0, $0xb8;
	[tilespmem:$0x18800] =	vst v63  }
0x193: {  	s17 =	simm.s32 $0x3000  }
0x194: {  	[tilespmem:s17], [sflag:$0x1] =	stream.indirect_vreg.gather [hbm4b:s6+s3], $0x80, v4, vm0, $0xb8;
	[tilespmem:$0x18800] =	vst v63  }
0x195: {  	v4 =	vld [tilespmem:$0x410];
	_ =	sdelay $0x4  }
0x196: {  	v5 =	vshrl.u32 v4, $0x3  }
0x197: {  	v5 =	vmul.u32 $0x30, v5  }
0x198: {  	v4 =	vand.u32 $0x7, v4  }
0x199: {  	v4 =	vor.u32 v4, v5  }
0x19a: {  	v5 =	vperm.xlane v4, v1;
	_ =	sdelay $0x1  }
0x19b: {  	v5 =	vadd.s32 v2, v5;
	_ =	sdelay $0x3  }
0x19c: {  	s17 =	simm.s32 $0x3800;
	v4 =	vperm.xlane v4, v3  }
0x19d: {  	[tilespmem:s17], [sflag:$0x1] =	stream.indirect_vreg.gather [hbm4b:s1+s3], $0x80, v5, vm0, $0xb8;
	[tilespmem:$0x18800] =	vst v63  }
0x19e: {  	v4 =	vadd.s32 v2, v4  }
0x19f: {  	[tilespmem:s21], [sflag:$0x1] =	stream.indirect_vreg.gather [hbm4b:s5+s3], $0x80, v5, vm0, $0xb8;
	[tilespmem:$0x18800] =	vst v63  }
0x1a0: {  	s17 =	simm.s32 $0x4800  }
0x1a1: {  	[tilespmem:s17], [sflag:$0x1] =	stream.indirect_vreg.gather [hbm4b:s6+s3], $0x80, v5, vm0, $0xb8;
	[tilespmem:$0x18800] =	vst v63  }
0x1a2: {  	s21 =	simm.s32 $0x5000  }
0x1a3: {  	[tilespmem:s21], [sflag:$0x1] =	stream.indirect_vreg.gather [hbm4b:s1+s3], $0x80, v4, vm0, $0xb8;
	[tilespmem:$0x18800] =	vst v63  }
0x1a4: {  	s17 =	simm.s32 $0x5800  }
0x1a5: {  	[tilespmem:s17], [sflag:$0x1] =	stream.indirect_vreg.gather [hbm4b:s5+s3], $0x80, v4, vm0, $0xb8;
	[tilespmem:$0x18800] =	vst v63  }
0x1a6: {  	s21 =	simm.s32 $0x6000  }
0x1a7: {  	[tilespmem:s21], [sflag:$0x1] =	stream.indirect_vreg.gather [hbm4b:s6+s3], $0x80, v4, vm0, $0xb8;
	[tilespmem:$0x18800] =	vst v63  }
0x1a8: {  	_ =	swait.ge [sflag:s11], $0x6000  }
0x1a9: {  	[sflag:s11] =	ssyncset.done $0x0  }
0x1aa: {  	s21 =	simm.s32 $0x6800;
	s2 =	rddreg [dreg:$0x9];
	[sflag:s11] =	ssyncadd.s32 $0xFFFFA000  }
0x1ab: {  	[hbm4b:s2+s3] =	stream.linear.scatter [tilespmem:s21], [sflag:$0x6], $0x6000, $0x38;
	[tilespmem:$0x18800] =	vst v63  }
0x1ac: {  	_ =	swait.ge [sflag:s12], $0x6000  }
0x1ad: {  	[sflag:s12] =	ssyncset.done $0x0  }
0x1ae: {  	[sflag:s12] =	ssyncadd.s32 $0xFFFFA000  }
0x1af: {  	v4 =	vld [tilespmem:$0x480];
	_ =	sdelay $0x4  }
0x1b0: {  	v5 =	vadd.s32 v0, v4  }
0x1b1: {  	v43 =	vshrl.u32 v5, $0x3  }
0x1b2: {  	v6 =	vmul.u32 $0x30, v43  }
0x1b3: {  	v4 =	vand.u32 $0x7, v4  }
0x1b4: {  	v4 =	vor.u32 v4, v6  }
0x1b5: {  	v44 =	vld [tilespmem:$0x490];
	v45 =	vperm.xlane v4, v1;
	_ =	sdelay $0x1  }
0x1b6: {  	v7 =	vadd.s32 v2, v45;
	_ =	sdelay $0x2  }
0x1b7: {  	[tilespmem:$0x480] =	vst v5;
	v5 =	vadd.s32 v0, v44  }
0x1b8: {  	[tilespmem:$0x490] =	vst v5;
	v4 =	vperm.xlane v4, v3  }
0x1b9: {  	[tilespmem:s21], [sflag:$0x2] =	stream.indirect_vreg.gather [hbm4b:s1+s3], $0x80, v7, vm0, $0xb8;
	[tilespmem:$0x18800] =	vst v63  }
0x1ba: {  	s17 =	simm.s32 $0x7000;
	v4 =	vadd.s32 v2, v4  }
0x1bb: {  	[tilespmem:s17], [sflag:$0x2] =	stream.indirect_vreg.gather [hbm4b:s5+s3], $0x80, v7, vm0, $0xb8;
	[tilespmem:$0x18800] =	vst v63  }
0x1bc: {  	s17 =	simm.s32 $0x7800  }
0x1bd: {  	[tilespmem:s17], [sflag:$0x2] =	stream.indirect_vreg.gather [hbm4b:s6+s3], $0x80, v7, vm0, $0xb8;
	[tilespmem:$0x18800] =	vst v63  }
0x1be: {  	s17 =	simm.s32 $0x8000  }
0x1bf: {  	[tilespmem:s17], [sflag:$0x2] =	stream.indirect_vreg.gather [hbm4b:s1+s3], $0x80, v4, vm0, $0xb8;
	[tilespmem:$0x18800] =	vst v63  }
0x1c0: {  	s17 =	simm.s32 $0x8800  }
0x1c1: {  	[tilespmem:s17], [sflag:$0x2] =	stream.indirect_vreg.gather [hbm4b:s5+s3], $0x80, v4, vm0, $0xb8;
	[tilespmem:$0x18800] =	vst v63  }
0x1c2: {  	s17 =	simm.s32 $0x9000  }
0x1c3: {  	[tilespmem:s17], [sflag:$0x2] =	stream.indirect_vreg.gather [hbm4b:s6+s3], $0x80, v4, vm0, $0xb8;
	[tilespmem:$0x18800] =	vst v63  }
0x1c4: {  	v4 =	vld [tilespmem:$0x490];
	_ =	sdelay $0x4  }
0x1c5: {  	v5 =	vshrl.u32 v4, $0x3  }
0x1c6: {  	v5 =	vmul.u32 $0x30, v5  }
0x1c7: {  	v4 =	vand.u32 $0x7, v4  }
0x1c8: {  	v4 =	vor.u32 v4, v5  }
0x1c9: {  	v5 =	vperm.xlane v4, v1;
	_ =	sdelay $0x1  }
0x1ca: {  	v5 =	vadd.s32 v2, v5;
	_ =	sdelay $0x3  }
0x1cb: {  	s17 =	simm.s32 $0x9800;
	v4 =	vperm.xlane v4, v3  }
0x1cc: {  	[tilespmem:s17], [sflag:$0x2] =	stream.indirect_vreg.gather [hbm4b:s1+s3], $0x80, v5, vm0, $0xb8;
	[tilespmem:$0x18800] =	vst v63  }
0x1cd: {  	v4 =	vadd.s32 v2, v4;
	s17 =	simm.s32 $0xA000  }
0x1ce: {  	[tilespmem:s17], [sflag:$0x2] =	stream.indirect_vreg.gather [hbm4b:s5+s3], $0x80, v5, vm0, $0xb8;
	[tilespmem:$0x18800] =	vst v63  }
0x1cf: {  	_ = 	snop  }
0x1d0: {  	[tilespmem:s30], [sflag:$0x2] =	stream.indirect_vreg.gather [hbm4b:s6+s3], $0x80, v5, vm0, $0xb8;
	[tilespmem:$0x18800] =	vst v63  }
0x1d1: {  	_ = 	snop  }
0x1d2: {  	[tilespmem:s31], [sflag:$0x2] =	stream.indirect_vreg.gather [hbm4b:s1+s3], $0x80, v4, vm0, $0xb8;
	[tilespmem:$0x18800] =	vst v63  }
0x1d3: {  	_ = 	snop  }
0x1d4: {  	[tilespmem:s18], [sflag:$0x2] =	stream.indirect_vreg.gather [hbm4b:s5+s3], $0x80, v4, vm0, $0xb8;
	[tilespmem:$0x18800] =	vst v63  }
0x1d5: {  	_ = 	snop  }
0x1d6: {  	[tilespmem:s19], [sflag:$0x2] =	stream.indirect_vreg.gather [hbm4b:s6+s3], $0x80, v4, vm0, $0xb8;
	[tilespmem:$0x18800] =	vst v63  }
0x1d7: {  	_ =	swait.ge [sflag:s13], $0x6000  }
0x1d8: {  	[sflag:s13] =	ssyncset.done $0x0  }
0x1d9: {  	s4 =	simm.s32 $0xC800;
	s2 =	rddreg [dreg:$0xa];
	[sflag:s13] =	ssyncadd.s32 $0xFFFFA000  }
0x1da: {  	[hbm4b:s2+s3] =	stream.linear.scatter [tilespmem:s4], [sflag:$0x7], $0x6000, $0x38;
	[tilespmem:$0x18800] =	vst v63  }
0x1db: {  	_ =	swait.ge [sflag:s14], $0x6000  }
0x1dc: {  	[sflag:s14] =	ssyncset.done $0x0  }
0x1dd: {  	[sflag:s14] =	ssyncadd.s32 $0xFFFFA000  }
0x1de: {  	v4 =	vld [tilespmem:$0x500];
	_ =	sdelay $0x4  }
0x1df: {  	v5 =	vadd.s32 v0, v4  }
0x1e0: {  	v46 =	vshrl.u32 v5, $0x3  }
0x1e1: {  	v6 =	vmul.u32 $0x30, v46  }
0x1e2: {  	v4 =	vand.u32 $0x7, v4  }
0x1e3: {  	v4 =	vor.u32 v4, v6  }
0x1e4: {  	v47 =	vld [tilespmem:$0x510];
	v48 =	vperm.xlane v4, v1;
	_ =	sdelay $0x1  }
0x1e5: {  	v7 =	vadd.s32 v2, v48;
	_ =	sdelay $0x2  }
0x1e6: {  	[tilespmem:$0x500] =	vst v5;
	v5 =	vadd.s32 v0, v47  }
0x1e7: {  	[tilespmem:$0x510] =	vst v5;
	v4 =	vperm.xlane v4, v3  }
0x1e8: {  	[tilespmem:s4], [sflag:$0x3] =	stream.indirect_vreg.gather [hbm4b:s1+s3], $0x80, v7, vm0, $0xb8;
	[tilespmem:$0x18800] =	vst v63  }
0x1e9: {  	s2 =	simm.s32 $0xD000;
	v4 =	vadd.s32 v2, v4  }
0x1ea: {  	[tilespmem:s2], [sflag:$0x3] =	stream.indirect_vreg.gather [hbm4b:s5+s3], $0x80, v7, vm0, $0xb8;
	[tilespmem:$0x18800] =	vst v63  }
0x1eb: {  	_ = 	snop  }
0x1ec: {  	[tilespmem:s20], [sflag:$0x3] =	stream.indirect_vreg.gather [hbm4b:s6+s3], $0x80, v7, vm0, $0xb8;
	[tilespmem:$0x18800] =	vst v63  }
0x1ed: {  	_ = 	snop  }
0x1ee: {  	[tilespmem:s9], [sflag:$0x3] =	stream.indirect_vreg.gather [hbm4b:s1+s3], $0x80, v4, vm0, $0xb8;
	[tilespmem:$0x18800] =	vst v63  }
0x1ef: {  	_ = 	snop  }
0x1f0: {  	[tilespmem:s23], [sflag:$0x3] =	stream.indirect_vreg.gather [hbm4b:s5+s3], $0x80, v4, vm0, $0xb8;
	[tilespmem:$0x18800] =	vst v63  }
0x1f1: {  	s4 =	simm.s32 $0xF000  }
0x1f2: {  	[tilespmem:s4], [sflag:$0x3] =	stream.indirect_vreg.gather [hbm4b:s6+s3], $0x80, v4, vm0, $0xb8;
	[tilespmem:$0x18800] =	vst v63  }
0x1f3: {  	v4 =	vld [tilespmem:$0x510];
	_ =	sdelay $0x4  }
0x1f4: {  	v5 =	vshrl.u32 v4, $0x3  }
0x1f5: {  	v5 =	vmul.u32 $0x30, v5  }
0x1f6: {  	v4 =	vand.u32 $0x7, v4  }
0x1f7: {  	v4 =	vor.u32 v4, v5  }
0x1f8: {  	v5 =	vperm.xlane v4, v1;
	_ =	sdelay $0x1  }
0x1f9: {  	v5 =	vadd.s32 v2, v5;
	_ =	sdelay $0x3  }
0x1fa: {  	s17 =	simm.s32 $0xF800;
	v4 =	vperm.xlane v4, v3  }
0x1fb: {  	[tilespmem:s17], [sflag:$0x3] =	stream.indirect_vreg.gather [hbm4b:s1+s3], $0x80, v5, vm0, $0xb8;
	[tilespmem:$0x18800] =	vst v63  }
0x1fc: {  	v4 =	vadd.s32 v2, v4  }
0x1fd: {  	[tilespmem:s24], [sflag:$0x3] =	stream.indirect_vreg.gather [hbm4b:s5+s3], $0x80, v5, vm0, $0xb8;
	[tilespmem:$0x18800] =	vst v63  }
0x1fe: {  	_ = 	snop  }
0x1ff: {  	[tilespmem:s25], [sflag:$0x3] =	stream.indirect_vreg.gather [hbm4b:s6+s3], $0x80, v5, vm0, $0xb8;
	[tilespmem:$0x18800] =	vst v63  }
0x200: {  	_ = 	snop  }
0x201: {  	[tilespmem:s26], [sflag:$0x3] =	stream.indirect_vreg.gather [hbm4b:s1+s3], $0x80, v4, vm0, $0xb8;
	[tilespmem:$0x18800] =	vst v63  }
0x202: {  	_ = 	snop  }
0x203: {  	[tilespmem:s28], [sflag:$0x3] =	stream.indirect_vreg.gather [hbm4b:s5+s3], $0x80, v4, vm0, $0xb8;
	[tilespmem:$0x18800] =	vst v63  }
0x204: {  	s20 =	simm.s32 $0x12000  }
0x205: {  	[tilespmem:s20], [sflag:$0x3] =	stream.indirect_vreg.gather [hbm4b:s6+s3], $0x80, v4, vm0, $0xb8;
	[tilespmem:$0x18800] =	vst v63  }
0x206: {  	_ =	swait.ge [sflag:s15], $0x6000  }
0x207: {  	[sflag:s15] =	ssyncset.done $0x0  }
0x208: {  	s4 =	rddreg [dreg:$0xb];
	[sflag:s15] =	ssyncadd.s32 $0xFFFFA000  }
0x209: {  	[hbm4b:s4+s3] =	stream.linear.scatter [tilespmem:s0], [sflag:$0x8], $0x6000, $0x38;
	[tilespmem:$0x18800] =	vst v63  }
0x20a: {  	_ =	swait.ge [sflag:s16], $0x6000  }
0x20b: {  	[sflag:s16] =	ssyncset.done $0x0  }
0x20c: {  	[sflag:s16] =	ssyncadd.s32 $0xFFFFA000  }
0x20d: {  	v4 =	vld [tilespmem:$0x580];
	_ =	sdelay $0x4  }
0x20e: {  	v5 =	vadd.s32 v0, v4  }
0x20f: {  	v49 =	vshrl.u32 v5, $0x3  }
0x210: {  	v6 =	vmul.u32 $0x30, v49  }
0x211: {  	v4 =	vand.u32 $0x7, v4  }
0x212: {  	v4 =	vor.u32 v4, v6  }
0x213: {  	v50 =	vld [tilespmem:$0x590];
	v51 =	vperm.xlane v4, v1;
	_ =	sdelay $0x1  }
0x214: {  	v7 =	vadd.s32 v2, v51;
	_ =	sdelay $0x2  }
0x215: {  	[tilespmem:$0x580] =	vst v5;
	v5 =	vadd.s32 v0, v50  }
0x216: {  	[tilespmem:$0x590] =	vst v5;
	v4 =	vperm.xlane v4, v3  }
0x217: {  	[tilespmem:s0], [sflag:$0x4] =	stream.indirect_vreg.gather [hbm4b:s1+s3], $0x80, v7, vm0, $0xb8;
	[tilespmem:$0x18800] =	vst v63  }
0x218: {  	s2 =	simm.s32 $0x13000;
	v4 =	vadd.s32 v2, v4  }
0x219: {  	[tilespmem:s2], [sflag:$0x4] =	stream.indirect_vreg.gather [hbm4b:s5+s3], $0x80, v7, vm0, $0xb8;
	[tilespmem:$0x18800] =	vst v63  }
0x21a: {  	s4 =	simm.s32 $0x13800  }
0x21b: {  	[tilespmem:s4], [sflag:$0x4] =	stream.indirect_vreg.gather [hbm4b:s6+s3], $0x80, v7, vm0, $0xb8;
	[tilespmem:$0x18800] =	vst v63  }
0x21c: {  	s20 =	simm.s32 $0x14000  }
0x21d: {  	[tilespmem:s20], [sflag:$0x4] =	stream.indirect_vreg.gather [hbm4b:s1+s3], $0x80, v4, vm0, $0xb8;
	[tilespmem:$0x18800] =	vst v63  }
0x21e: {  	s20 =	simm.s32 $0x14800  }
0x21f: {  	[tilespmem:s20], [sflag:$0x4] =	stream.indirect_vreg.gather [hbm4b:s5+s3], $0x80, v4, vm0, $0xb8;
	[tilespmem:$0x18800] =	vst v63  }
0x220: {  	s20 =	simm.s32 $0x15000  }
0x221: {  	[tilespmem:s20], [sflag:$0x4] =	stream.indirect_vreg.gather [hbm4b:s6+s3], $0x80, v4, vm0, $0xb8;
	[tilespmem:$0x18800] =	vst v63  }
0x222: {  	v4 =	vld [tilespmem:$0x590];
	_ =	sdelay $0x4  }
0x223: {  	v5 =	vshrl.u32 v4, $0x3  }
0x224: {  	v5 =	vmul.u32 $0x30, v5  }
0x225: {  	v4 =	vand.u32 $0x7, v4  }
0x226: {  	v4 =	vor.u32 v4, v5  }
0x227: {  	v5 =	vperm.xlane v4, v1;
	_ =	sdelay $0x1  }
0x228: {  	v5 =	vadd.s32 v2, v5;
	_ =	sdelay $0x3  }
0x229: {  	s20 =	simm.s32 $0x15800;
	v4 =	vperm.xlane v4, v3  }
0x22a: {  	[tilespmem:s20], [sflag:$0x4] =	stream.indirect_vreg.gather [hbm4b:s1+s3], $0x80, v5, vm0, $0xb8;
	[tilespmem:$0x18800] =	vst v63  }
0x22b: {  	v4 =	vadd.s32 v2, v4;
	s20 =	simm.s32 $0x16000  }
0x22c: {  	[tilespmem:s20], [sflag:$0x4] =	stream.indirect_vreg.gather [hbm4b:s5+s3], $0x80, v5, vm0, $0xb8;
	[tilespmem:$0x18800] =	vst v63  }
0x22d: {  	s20 =	simm.s32 $0x16800  }
0x22e: {  	[tilespmem:s20], [sflag:$0x4] =	stream.indirect_vreg.gather [hbm4b:s6+s3], $0x80, v5, vm0, $0xb8;
	[tilespmem:$0x18800] =	vst v63  }
0x22f: {  	s20 =	simm.s32 $0x17000  }
0x230: {  	[tilespmem:s20], [sflag:$0x4] =	stream.indirect_vreg.gather [hbm4b:s1+s3], $0x80, v4, vm0, $0xb8;
	[tilespmem:$0x18800] =	vst v63  }
0x231: {  	s20 =	simm.s32 $0x17800  }
0x232: {  	[tilespmem:s20], [sflag:$0x4] =	stream.indirect_vreg.gather [hbm4b:s5+s3], $0x80, v4, vm0, $0xb8;
	[tilespmem:$0x18800] =	vst v63  }
0x233: {  	s20 =	simm.s32 $0x18000  }
0x234: {  	[tilespmem:s20], [sflag:$0x4] =	stream.indirect_vreg.gather [hbm4b:s6+s3], $0x80, v4, vm0, $0xb8;
	[tilespmem:$0x18800] =	vst v63  }
0x235: {  	_ =	swait.ge [sflag:s8], $0x6000  }
0x236: {  	[sflag:s8] =	ssyncset.done $0x0  }
0x237: {  	s20 =	simm.s32 $0x800;
	s17 =	rddreg [dreg:$0xc];
	[sflag:s8] =	ssyncadd.s32 $0xFFFFA000  }
0x238: {  	[hbm4b:s17+s3] =	stream.linear.scatter [tilespmem:s20], [sflag:$0x5], $0x6000, $0x38;
	[tilespmem:$0x18800] =	vst v63  }
0x239: {  	_ =	swait.ge [sflag:s10], $0x6000  }
0x23a: {  	[sflag:s10] =	ssyncset.done $0x0  }
0x23b: {  	[sflag:s10] =	ssyncadd.s32 $0xFFFFA000  }
0x23c: {  	v4 =	vld [tilespmem:$0x600];
	_ =	sdelay $0x4  }
0x23d: {  	v5 =	vadd.s32 v0, v4  }
0x23e: {  	v52 =	vshrl.u32 v5, $0x3  }
0x23f: {  	v6 =	vmul.u32 $0x30, v52  }
0x240: {  	v4 =	vand.u32 $0x7, v4  }
0x241: {  	v4 =	vor.u32 v4, v6  }
0x242: {  	v53 =	vld [tilespmem:$0x610];
	v54 =	vperm.xlane v4, v1;
	_ =	sdelay $0x1  }
0x243: {  	v7 =	vadd.s32 v2, v54;
	_ =	sdelay $0x2  }
0x244: {  	[tilespmem:$0x600] =	vst v5;
	v5 =	vadd.s32 v0, v53  }
0x245: {  	[tilespmem:$0x610] =	vst v5;
	v4 =	vperm.xlane v4, v3  }
0x246: {  	[tilespmem:s20], [sflag:$0x1] =	stream.indirect_vreg.gather [hbm4b:s1+s3], $0x80, v7, vm0, $0xb8;
	[tilespmem:$0x18800] =	vst v63  }
0x247: {  	s17 =	simm.s32 $0x1000;
	v4 =	vadd.s32 v2, v4  }
0x248: {  	[tilespmem:s17], [sflag:$0x1] =	stream.indirect_vreg.gather [hbm4b:s5+s3], $0x80, v7, vm0, $0xb8;
	[tilespmem:$0x18800] =	vst v63  }
0x249: {  	s17 =	simm.s32 $0x1800  }
0x24a: {  	[tilespmem:s17], [sflag:$0x1] =	stream.indirect_vreg.gather [hbm4b:s6+s3], $0x80, v7, vm0, $0xb8;
	[tilespmem:$0x18800] =	vst v63  }
0x24b: {  	s22 =	simm.s32 $0x2000  }
0x24c: {  	[tilespmem:s22], [sflag:$0x1] =	stream.indirect_vreg.gather [hbm4b:s1+s3], $0x80, v4, vm0, $0xb8;
	[tilespmem:$0x18800] =	vst v63  }
0x24d: {  	s29 =	simm.s32 $0x2800  }
0x24e: {  	[tilespmem:s29], [sflag:$0x1] =	stream.indirect_vreg.gather [hbm4b:s5+s3], $0x80, v4, vm0, $0xb8;
	[tilespmem:$0x18800] =	vst v63  }
0x24f: {  	s29 =	simm.s32 $0x3000  }
0x250: {  	[tilespmem:s29], [sflag:$0x1] =	stream.indirect_vreg.gather [hbm4b:s6+s3], $0x80, v4, vm0, $0xb8;
	[tilespmem:$0x18800] =	vst v63  }
0x251: {  	v4 =	vld [tilespmem:$0x610];
	_ =	sdelay $0x4  }
0x252: {  	v5 =	vshrl.u32 v4, $0x3  }
0x253: {  	v5 =	vmul.u32 $0x30, v5  }
0x254: {  	v4 =	vand.u32 $0x7, v4  }
0x255: {  	v4 =	vor.u32 v4, v5  }
0x256: {  	v5 =	vperm.xlane v4, v1;
	_ =	sdelay $0x1  }
0x257: {  	v5 =	vadd.s32 v2, v5;
	_ =	sdelay $0x3  }
0x258: {  	s22 =	simm.s32 $0x3800;
	v4 =	vperm.xlane v4, v3  }
0x259: {  	[tilespmem:s22], [sflag:$0x1] =	stream.indirect_vreg.gather [hbm4b:s1+s3], $0x80, v5, vm0, $0xb8;
	[tilespmem:$0x18800] =	vst v63  }
0x25a: {  	s29 =	simm.s32 $0x4000;
	v4 =	vadd.s32 v2, v4  }
0x25b: {  	[tilespmem:s29], [sflag:$0x1] =	stream.indirect_vreg.gather [hbm4b:s5+s3], $0x80, v5, vm0, $0xb8;
	[tilespmem:$0x18800] =	vst v63  }
0x25c: {  	s22 =	simm.s32 $0x4800  }
0x25d: {  	[tilespmem:s22], [sflag:$0x1] =	stream.indirect_vreg.gather [hbm4b:s6+s3], $0x80, v5, vm0, $0xb8;
	[tilespmem:$0x18800] =	vst v63  }
0x25e: {  	s29 =	simm.s32 $0x5000  }
0x25f: {  	[tilespmem:s29], [sflag:$0x1] =	stream.indirect_vreg.gather [hbm4b:s1+s3], $0x80, v4, vm0, $0xb8;
	[tilespmem:$0x18800] =	vst v63  }
0x260: {  	s22 =	simm.s32 $0x5800  }
0x261: {  	[tilespmem:s22], [sflag:$0x1] =	stream.indirect_vreg.gather [hbm4b:s5+s3], $0x80, v4, vm0, $0xb8;
	[tilespmem:$0x18800] =	vst v63  }
0x262: {  	s29 =	simm.s32 $0x6000  }
0x263: {  	[tilespmem:s29], [sflag:$0x1] =	stream.indirect_vreg.gather [hbm4b:s6+s3], $0x80, v4, vm0, $0xb8;
	[tilespmem:$0x18800] =	vst v63  }
0x264: {  	_ =	swait.ge [sflag:s11], $0x6000  }
0x265: {  	[sflag:s11] =	ssyncset.done $0x0  }
0x266: {  	s21 =	simm.s32 $0x6800;
	s22 =	rddreg [dreg:$0xd];
	[sflag:s11] =	ssyncadd.s32 $0xFFFFA000  }
0x267: {  	[hbm4b:s22+s3] =	stream.linear.scatter [tilespmem:s21], [sflag:$0x6], $0x6000, $0x38;
	[tilespmem:$0x18800] =	vst v63  }
0x268: {  	_ =	swait.ge [sflag:s12], $0x6000  }
0x269: {  	[sflag:s12] =	ssyncset.done $0x0  }
0x26a: {  	[sflag:s12] =	ssyncadd.s32 $0xFFFFA000  }
0x26b: {  	v4 =	vld [tilespmem:$0x680];
	_ =	sdelay $0x4  }
0x26c: {  	v5 =	vadd.s32 v0, v4  }
0x26d: {  	v55 =	vshrl.u32 v5, $0x3  }
0x26e: {  	v6 =	vmul.u32 $0x30, v55  }
0x26f: {  	v4 =	vand.u32 $0x7, v4  }
0x270: {  	v4 =	vor.u32 v4, v6  }
0x271: {  	v56 =	vld [tilespmem:$0x690];
	v57 =	vperm.xlane v4, v1;
	_ =	sdelay $0x1  }
0x272: {  	v7 =	vadd.s32 v2, v57;
	_ =	sdelay $0x2  }
0x273: {  	[tilespmem:$0x680] =	vst v5;
	v5 =	vadd.s32 v0, v56  }
0x274: {  	[tilespmem:$0x690] =	vst v5;
	v4 =	vperm.xlane v4, v3  }
0x275: {  	[tilespmem:s21], [sflag:$0x2] =	stream.indirect_vreg.gather [hbm4b:s1+s3], $0x80, v7, vm0, $0xb8;
	[tilespmem:$0x18800] =	vst v63  }
0x276: {  	s29 =	simm.s32 $0x7000;
	v4 =	vadd.s32 v2, v4  }
0x277: {  	[tilespmem:s29], [sflag:$0x2] =	stream.indirect_vreg.gather [hbm4b:s5+s3], $0x80, v7, vm0, $0xb8;
	[tilespmem:$0x18800] =	vst v63  }
0x278: {  	s22 =	simm.s32 $0x7800  }
0x279: {  	[tilespmem:s22], [sflag:$0x2] =	stream.indirect_vreg.gather [hbm4b:s6+s3], $0x80, v7, vm0, $0xb8;
	[tilespmem:$0x18800] =	vst v63  }
0x27a: {  	s29 =	simm.s32 $0x8000  }
0x27b: {  	[tilespmem:s29], [sflag:$0x2] =	stream.indirect_vreg.gather [hbm4b:s1+s3], $0x80, v4, vm0, $0xb8;
	[tilespmem:$0x18800] =	vst v63  }
0x27c: {  	s22 =	simm.s32 $0x8800  }
0x27d: {  	[tilespmem:s22], [sflag:$0x2] =	stream.indirect_vreg.gather [hbm4b:s5+s3], $0x80, v4, vm0, $0xb8;
	[tilespmem:$0x18800] =	vst v63  }
0x27e: {  	s29 =	simm.s32 $0x9000  }
0x27f: {  	[tilespmem:s29], [sflag:$0x2] =	stream.indirect_vreg.gather [hbm4b:s6+s3], $0x80, v4, vm0, $0xb8;
	[tilespmem:$0x18800] =	vst v63  }
0x280: {  	v4 =	vld [tilespmem:$0x690];
	_ =	sdelay $0x4  }
0x281: {  	v5 =	vshrl.u32 v4, $0x3  }
0x282: {  	v5 =	vmul.u32 $0x30, v5  }
0x283: {  	v4 =	vand.u32 $0x7, v4  }
0x284: {  	v4 =	vor.u32 v4, v5  }
0x285: {  	v5 =	vperm.xlane v4, v1;
	_ =	sdelay $0x1  }
0x286: {  	v5 =	vadd.s32 v2, v5;
	_ =	sdelay $0x3  }
0x287: {  	s22 =	simm.s32 $0x9800;
	v4 =	vperm.xlane v4, v3  }
0x288: {  	[tilespmem:s22], [sflag:$0x2] =	stream.indirect_vreg.gather [hbm4b:s1+s3], $0x80, v5, vm0, $0xb8;
	[tilespmem:$0x18800] =	vst v63  }
0x289: {  	s29 =	simm.s32 $0xA000;
	v4 =	vadd.s32 v2, v4  }
0x28a: {  	[tilespmem:s29], [sflag:$0x2] =	stream.indirect_vreg.gather [hbm4b:s5+s3], $0x80, v5, vm0, $0xb8;
	[tilespmem:$0x18800] =	vst v63  }
0x28b: {  	s30 =	simm.s32 $0xA800  }
0x28c: {  	[tilespmem:s30], [sflag:$0x2] =	stream.indirect_vreg.gather [hbm4b:s6+s3], $0x80, v5, vm0, $0xb8;
	[tilespmem:$0x18800] =	vst v63  }
0x28d: {  	s31 =	simm.s32 $0xB000  }
0x28e: {  	[tilespmem:s31], [sflag:$0x2] =	stream.indirect_vreg.gather [hbm4b:s1+s3], $0x80, v4, vm0, $0xb8;
	[tilespmem:$0x18800] =	vst v63  }
0x28f: {  	s18 =	simm.s32 $0xB800  }
0x290: {  	[tilespmem:s18], [sflag:$0x2] =	stream.indirect_vreg.gather [hbm4b:s5+s3], $0x80, v4, vm0, $0xb8;
	[tilespmem:$0x18800] =	vst v63  }
0x291: {  	s19 =	simm.s32 $0xC000  }
0x292: {  	[tilespmem:s19], [sflag:$0x2] =	stream.indirect_vreg.gather [hbm4b:s6+s3], $0x80, v4, vm0, $0xb8;
	[tilespmem:$0x18800] =	vst v63  }
0x293: {  	_ =	swait.ge [sflag:s13], $0x6000  }
0x294: {  	[sflag:s13] =	ssyncset.done $0x0  }
0x295: {  	s31 =	simm.s32 $0xC800;
	s30 =	rddreg [dreg:$0xe];
	[sflag:s13] =	ssyncadd.s32 $0xFFFFA000  }
0x296: {  	[hbm4b:s30+s3] =	stream.linear.scatter [tilespmem:s31], [sflag:$0x7], $0x6000, $0x38;
	[tilespmem:$0x18800] =	vst v63  }
0x297: {  	_ =	swait.ge [sflag:s14], $0x6000  }
0x298: {  	[sflag:s14] =	ssyncset.done $0x0  }
0x299: {  	[sflag:s14] =	ssyncadd.s32 $0xFFFFA000  }
0x29a: {  	v4 =	vld [tilespmem:$0x700];
	_ =	sdelay $0x4  }
0x29b: {  	v5 =	vadd.s32 v0, v4  }
0x29c: {  	v58 =	vshrl.u32 v5, $0x3  }
0x29d: {  	v6 =	vmul.u32 $0x30, v58  }
0x29e: {  	v4 =	vand.u32 $0x7, v4  }
0x29f: {  	v4 =	vor.u32 v4, v6  }
0x2a0: {  	v59 =	vld [tilespmem:$0x710];
	v60 =	vperm.xlane v4, v1;
	_ =	sdelay $0x1  }
0x2a1: {  	v7 =	vadd.s32 v2, v60;
	_ =	sdelay $0x2  }
0x2a2: {  	[tilespmem:$0x700] =	vst v5;
	v5 =	vadd.s32 v0, v59  }
0x2a3: {  	[tilespmem:$0x710] =	vst v5;
	v4 =	vperm.xlane v4, v3  }
0x2a4: {  	[tilespmem:s31], [sflag:$0x3] =	stream.indirect_vreg.gather [hbm4b:s1+s3], $0x80, v7, vm0, $0xb8;
	[tilespmem:$0x18800] =	vst v63  }
0x2a5: {  	s19 =	simm.s32 $0xD000;
	v4 =	vadd.s32 v2, v4  }
0x2a6: {  	[tilespmem:s19], [sflag:$0x3] =	stream.indirect_vreg.gather [hbm4b:s5+s3], $0x80, v7, vm0, $0xb8;
	[tilespmem:$0x18800] =	vst v63  }
0x2a7: {  	s22 =	simm.s32 $0xD800  }
0x2a8: {  	[tilespmem:s22], [sflag:$0x3] =	stream.indirect_vreg.gather [hbm4b:s6+s3], $0x80, v7, vm0, $0xb8;
	[tilespmem:$0x18800] =	vst v63  }
0x2a9: {  	s9 =	simm.s32 $0xE000  }
0x2aa: {  	[tilespmem:s9], [sflag:$0x3] =	stream.indirect_vreg.gather [hbm4b:s1+s3], $0x80, v4, vm0, $0xb8;
	[tilespmem:$0x18800] =	vst v63  }
0x2ab: {  	s23 =	simm.s32 $0xE800  }
0x2ac: {  	[tilespmem:s23], [sflag:$0x3] =	stream.indirect_vreg.gather [hbm4b:s5+s3], $0x80, v4, vm0, $0xb8;
	[tilespmem:$0x18800] =	vst v63  }
0x2ad: {  	s23 =	simm.s32 $0xF000  }
0x2ae: {  	[tilespmem:s23], [sflag:$0x3] =	stream.indirect_vreg.gather [hbm4b:s6+s3], $0x80, v4, vm0, $0xb8;
	[tilespmem:$0x18800] =	vst v63  }
0x2af: {  	v4 =	vld [tilespmem:$0x710];
	_ =	sdelay $0x4  }
0x2b0: {  	v5 =	vshrl.u32 v4, $0x3  }
0x2b1: {  	v5 =	vmul.u32 $0x30, v5  }
0x2b2: {  	v4 =	vand.u32 $0x7, v4  }
0x2b3: {  	v4 =	vor.u32 v4, v5  }
0x2b4: {  	v5 =	vperm.xlane v4, v1;
	_ =	sdelay $0x1  }
0x2b5: {  	v5 =	vadd.s32 v2, v5;
	_ =	sdelay $0x3  }
0x2b6: {  	s29 =	simm.s32 $0xF800;
	v4 =	vperm.xlane v4, v3  }
0x2b7: {  	[tilespmem:s29], [sflag:$0x3] =	stream.indirect_vreg.gather [hbm4b:s1+s3], $0x80, v5, vm0, $0xb8;
	[tilespmem:$0x18800] =	vst v63  }
0x2b8: {  	s24 =	simm.s32 $0x10000;
	v4 =	vadd.s32 v2, v4  }
0x2b9: {  	[tilespmem:s24], [sflag:$0x3] =	stream.indirect_vreg.gather [hbm4b:s5+s3], $0x80, v5, vm0, $0xb8;
	[tilespmem:$0x18800] =	vst v63  }
0x2ba: {  	s25 =	simm.s32 $0x10800  }
0x2bb: {  	[tilespmem:s25], [sflag:$0x3] =	stream.indirect_vreg.gather [hbm4b:s6+s3], $0x80, v5, vm0, $0xb8;
	[tilespmem:$0x18800] =	vst v63  }
0x2bc: {  	s26 =	simm.s32 $0x11000  }
0x2bd: {  	[tilespmem:s26], [sflag:$0x3] =	stream.indirect_vreg.gather [hbm4b:s1+s3], $0x80, v4, vm0, $0xb8;
	[tilespmem:$0x18800] =	vst v63  }
0x2be: {  	s28 =	simm.s32 $0x11800  }
0x2bf: {  	[tilespmem:s28], [sflag:$0x3] =	stream.indirect_vreg.gather [hbm4b:s5+s3], $0x80, v4, vm0, $0xb8;
	[tilespmem:$0x18800] =	vst v63  }
0x2c0: {  	s30 =	simm.s32 $0x12000  }
0x2c1: {  	[tilespmem:s30], [sflag:$0x3] =	stream.indirect_vreg.gather [hbm4b:s6+s3], $0x80, v4, vm0, $0xb8;
	[tilespmem:$0x18800] =	vst v63  }
0x2c2: {  	_ =	swait.ge [sflag:s15], $0x6000  }
0x2c3: {  	[sflag:s15] =	ssyncset.done $0x0  }
0x2c4: {  	s31 =	rddreg [dreg:$0xf];
	[sflag:s15] =	ssyncadd.s32 $0xFFFFA000  }
0x2c5: {  	[hbm4b:s31+s3] =	stream.linear.scatter [tilespmem:s0], [sflag:$0x8], $0x6000, $0x38;
	[tilespmem:$0x18800] =	vst v63  }
0x2c6: {  	_ =	swait.ge [sflag:s16], $0x6000  }
0x2c7: {  	[sflag:s16] =	ssyncset.done $0x0  }
0x2c8: {  	[sflag:s16] =	ssyncadd.s32 $0xFFFFA000  }
0x2c9: {  	v4 =	vld [tilespmem:$0x780];
	_ =	sdelay $0x4  }
0x2ca: {  	v5 =	vadd.s32 v0, v4  }
0x2cb: {  	v61 =	vshrl.u32 v5, $0x3  }
0x2cc: {  	v6 =	vmul.u32 $0x30, v61  }
0x2cd: {  	v4 =	vand.u32 $0x7, v4  }
0x2ce: {  	v4 =	vor.u32 v4, v6  }
0x2cf: {  	v62 =	vld [tilespmem:$0x790];
	v63 =	vperm.xlane v4, v1;
	_ =	sdelay $0x1  }
0x2d0: {  	v7 =	vadd.s32 v2, v63;
	_ =	sdelay $0x2  }
0x2d1: {  	[tilespmem:$0x780] =	vst v5;
	v5 =	vadd.s32 v0, v62  }
0x2d2: {  	[tilespmem:$0x790] =	vst v5;
	v4 =	vperm.xlane v4, v3  }
0x2d3: {  	[tilespmem:s0], [sflag:$0x4] =	stream.indirect_vreg.gather [hbm4b:s1+s3], $0x80, v7, vm0, $0xb8;
	[tilespmem:$0x18800] =	vst v63  }
0x2d4: {  	v4 =	vadd.s32 v2, v4  }
0x2d5: {  	[tilespmem:s2], [sflag:$0x4] =	stream.indirect_vreg.gather [hbm4b:s5+s3], $0x80, v7, vm0, $0xb8;
	[tilespmem:$0x18800] =	vst v63  }
0x2d6: {  	_ = 	snop  }
0x2d7: {  	[tilespmem:s4], [sflag:$0x4] =	stream.indirect_vreg.gather [hbm4b:s6+s3], $0x80, v7, vm0, $0xb8;
	[tilespmem:$0x18800] =	vst v63  }
0x2d8: {  	s4 =	simm.s32 $0x14000  }
0x2d9: {  	[tilespmem:s4], [sflag:$0x4] =	stream.indirect_vreg.gather [hbm4b:s1+s3], $0x80, v4, vm0, $0xb8;
	[tilespmem:$0x18800] =	vst v63  }
0x2da: {  	s9 =	simm.s32 $0x14800  }
0x2db: {  	[tilespmem:s9], [sflag:$0x4] =	stream.indirect_vreg.gather [hbm4b:s5+s3], $0x80, v4, vm0, $0xb8;
	[tilespmem:$0x18800] =	vst v63  }
0x2dc: {  	s17 =	simm.s32 $0x15000  }
0x2dd: {  	[tilespmem:s17], [sflag:$0x4] =	stream.indirect_vreg.gather [hbm4b:s6+s3], $0x80, v4, vm0, $0xb8;
	[tilespmem:$0x18800] =	vst v63  }
0x2de: {  	v4 =	vld [tilespmem:$0x790];
	_ =	sdelay $0x4  }
0x2df: {  	v5 =	vshrl.u32 v4, $0x3  }
0x2e0: {  	v5 =	vmul.u32 $0x30, v5  }
0x2e1: {  	v4 =	vand.u32 $0x7, v4  }
0x2e2: {  	v4 =	vor.u32 v4, v5  }
0x2e3: {  	v5 =	vperm.xlane v4, v1;
	_ =	sdelay $0x1  }
0x2e4: {  	v5 =	vadd.s32 v2, v5;
	_ =	sdelay $0x3  }
0x2e5: {  	s19 =	simm.s32 $0x15800;
	v4 =	vperm.xlane v4, v3  }
0x2e6: {  	[tilespmem:s19], [sflag:$0x4] =	stream.indirect_vreg.gather [hbm4b:s1+s3], $0x80, v5, vm0, $0xb8;
	[tilespmem:$0x18800] =	vst v63  }
0x2e7: {  	s22 =	simm.s32 $0x16000;
	v4 =	vadd.s32 v2, v4  }
0x2e8: {  	[tilespmem:s22], [sflag:$0x4] =	stream.indirect_vreg.gather [hbm4b:s5+s3], $0x80, v5, vm0, $0xb8;
	[tilespmem:$0x18800] =	vst v63  }
0x2e9: {  	s23 =	simm.s32 $0x16800  }
0x2ea: {  	[tilespmem:s23], [sflag:$0x4] =	stream.indirect_vreg.gather [hbm4b:s6+s3], $0x80, v5, vm0, $0xb8;
	[tilespmem:$0x18800] =	vst v63  }
0x2eb: {  	s24 =	simm.s32 $0x17000  }
0x2ec: {  	[tilespmem:s24], [sflag:$0x4] =	stream.indirect_vreg.gather [hbm4b:s1+s3], $0x80, v4, vm0, $0xb8;
	[tilespmem:$0x18800] =	vst v63  }
0x2ed: {  	s25 =	simm.s32 $0x17800  }
0x2ee: {  	[tilespmem:s25], [sflag:$0x4] =	stream.indirect_vreg.gather [hbm4b:s5+s3], $0x80, v4, vm0, $0xb8;
	[tilespmem:$0x18800] =	vst v63  }
0x2ef: {  	s26 =	simm.s32 $0x18000  }
0x2f0: {  	[tilespmem:s26], [sflag:$0x4] =	stream.indirect_vreg.gather [hbm4b:s6+s3], $0x80, v4, vm0, $0xb8;
	[tilespmem:$0x18800] =	vst v63  }
0x2f1: {  	_ =	swait.ge [sflag:s8], $0x6000  }
0x2f2: {  	[sflag:s8] =	ssyncset.done $0x0  }
0x2f3: {  	s20 =	simm.s32 $0x800;
	s28 =	rddreg [dreg:$0x10];
	[sflag:s8] =	ssyncadd.s32 $0xFFFFA000  }
0x2f4: {  	[hbm4b:s28+s3] =	stream.linear.scatter [tilespmem:s20], [sflag:$0x5], $0x6000, $0x38;
	[tilespmem:$0x18800] =	vst v63  }
0x2f5: {  	_ =	swait.ge [sflag:s11], $0x6000  }
0x2f6: {  	[sflag:s11] =	ssyncset.done $0x0  }
0x2f7: {  	s29 =	rddreg [dreg:$0x11];
	[sflag:s11] =	ssyncadd.s32 $0xFFFFA000  }
0x2f8: {  	[hbm4b:s29+s3] =	stream.linear.scatter [tilespmem:s21], [sflag:$0x6], $0x6000, $0x38;
	[tilespmem:$0x18800] =	vst v63  }
0x2f9: {  	_ =	swait.ge [sflag:s13], $0x6000  }
0x2fa: {  	[sflag:s13] =	ssyncset.done $0x0  }
0x2fb: {  	s18 =	simm.s32 $0xC800;
	s30 =	rddreg [dreg:$0x12];
	[sflag:s13] =	ssyncadd.s32 $0xFFFFA000  }
0x2fc: {  	[hbm4b:s30+s3] =	stream.linear.scatter [tilespmem:s18], [sflag:$0x7], $0x6000, $0x38;
	[tilespmem:$0x18800] =	vst v63  }
0x2fd: {  	_ =	swait.ge [sflag:s15], $0x6000  }
0x2fe: {  	[sflag:s15] =	ssyncset.done $0x0  }
0x2ff: {  	s31 =	rddreg [dreg:$0x13];
	[sflag:s15] =	ssyncadd.s32 $0xFFFFA000  }
0x300: {  	[hbm4b:s31+s3] =	stream.linear.scatter [tilespmem:s0], [sflag:$0x8], $0x6000, $0x38;
	[tilespmem:$0x18800] =	vst v63  }
0x301: {  	_ =	swait.ge [sflag:s10], $0x6000  }
0x302: {  	[sflag:s10] =	ssyncset.done $0x0  }
0x303: {  	[sflag:s10] =	ssyncadd.s32 $0xFFFFA000  }
0x304: {  	_ =	swait.ge [sflag:s12], $0x6000  }
0x305: {  	[sflag:s12] =	ssyncset.done $0x0  }
0x306: {  	[sflag:s12] =	ssyncadd.s32 $0xFFFFA000  }
0x307: {  	p0 =	sne.s32 s7, $0x1;
	_ =	swait.ge [sflag:s14], $0x6000  }
.Ltmp0:
0x308: {  	[sflag:s14] =	ssyncset.done $0x0;
	(pc) =	sbr.rel @p0 .LBB2_1-.Ltmp0, $4  }
0x309: {  	[sflag:s14] =	ssyncadd.s32 $0xFFFFA000  }
0x30a: {  	_ =	swait.ge [sflag:s16], $0x6000  }
0x30b: {  	[sflag:s16] =	ssyncset.done $0x0  }
0x30c: {  	s7 =	sadd.s32 $0xFFFFFFFF, s7;
	[sflag:s16] =	ssyncadd.s32 $0xFFFFA000  }
0x30d: {  	_ =	sfence.sel $0x180000  }
0x30e: {  	[bflag:$0x0] =	sbarrier.arrive $0xFFFF  }
0x30f: {  	_ =	strace $0x90000047  }
0x310: {  	s0 =	stileid.u32;
	[bflag:$0x2] =	sbarrier.arrive $0xFFFF  }
0x311: {  	p0 =	sne.s32 s0, $0x0;
	s0 =	rddreg [dreg:$0x3]  }
0x312: {  	s0 =	sadd.s32 @!p0 $0x100000, s0  }
0x313: {  	[sflag:s0] =	ssyncadd.tile.s32 @!p0 $0x1;
	_ =	shalt  }
.Lfunc_end2:
_tile_overlayer_lowered:
.L_overlay_start_2:
0x314: {  	(tag) =	ssettag $0x2  }
0x315: {  	s0 =	rddreg [dreg:$0x0];
	s2 =	stileid.u32  }
0x316: {  	s1 =	rddreg [dreg:$0x1];
	p0 =	sne.s32 s2, $0x0  }
0x317: {  	s3 =	rddreg [dreg:$0x2];
	[bflag:$0x3] =	sbarrier.arrive $0xFFFF;
	s2 =	simm.s32 @!p0 $0x1C09  }
0x318: {  	[timem:s3], [sflag:s2] =	dma.local @!p0 [hbm:s0], s1  }
0x319: {  	s0 =	simm.s32 @!p0 $0x9  }
0x31a: {  	_ =	swait.ge @!p0 [sflag:s0], s1  }
0x31b: {  	s1 =	ssub.s32 @!p0 $0x0, s1;
	[sflag:s0] =	ssyncset.done @!p0 $0x0  }
0x31c: {  	[sflag:s0] =	ssyncadd.s32 @!p0 s1  }
0x31d: {  	[bflag:$0x3] =	sbarrier.arrive $0xFFFF  }
0x31e: {  	_ =	shalt  }

</sc_bundles>
